<compile_context>
chip_gen: v7x
topology: tpu7x:2x2x1
jax: 0.10.2.dev20260603
libtpu: 0.0.44.dev20260713+nightly
codegen_flags: <defaults>
</compile_context>

<pallas_src>
import functools

import jax
import jax.numpy as jnp
from jax import lax
from jax.experimental import pallas as pl
from jax.experimental.pallas import tpu as pltpu
from jax.experimental.pallas import tpu_sc as plsc

_NCORES = 2
_NSUB = 16
_NW = _NCORES * _NSUB
_L = 16


def kernel(kspace_data, mask):
    nb, nc, nx, ny = kspace_data.shape
    n_sampled = mask.shape[2] // 2
    nrows = nb * nc * nx
    rows_per_w = nrows // _NW
    chunk_rows = 40
    nchunks = rows_per_w // chunk_rows
    ngroups = n_sampled // _L
    assert nchunks % 2 == 0

    x2 = kspace_data.reshape(nrows, ny)
    mask_i32 = mask.reshape(ny).astype(jnp.int32)

    mesh = plsc.VectorSubcoreMesh(
        core_axis_name="c", subcore_axis_name="s",
        num_cores=_NCORES, num_subcores=_NSUB)

    @functools.partial(
        pl.kernel,
        out_type=jax.ShapeDtypeStruct((nb, nc, nx, n_sampled), jnp.float32),
        mesh=mesh,
        scratch_types=[
            pltpu.VMEM((chunk_rows, ny), jnp.float32),
            pltpu.VMEM((chunk_rows, ny), jnp.float32),
            pltpu.VMEM((chunk_rows, n_sampled), jnp.float32),
            pltpu.VMEM((chunk_rows, n_sampled), jnp.float32),
            pltpu.VMEM((ny,), jnp.int32),
            pltpu.VMEM((ny + _L,), jnp.int32),
            pltpu.VMEM((_L,), jnp.int32),
            pltpu.SemaphoreType.DMA,
            pltpu.SemaphoreType.DMA,
            pltpu.SemaphoreType.DMA,
            pltpu.SemaphoreType.DMA,
        ],
        compiler_params=pltpu.CompilerParams(needs_layout_passes=False),
    )
    def run(x_hbm, mask_hbm, out_hbm, in_v0, in_v1, out_v0, out_v1,
            mask_v, cols_v, tmp_v, isem0, isem1, osem0, osem1):
        in_bufs = (in_v0, in_v1)
        out_bufs = (out_v0, out_v1)
        isems = (isem0, isem1)
        osems = (osem0, osem1)

        wid = lax.axis_index("s") * _NCORES + lax.axis_index("c")
        pltpu.sync_copy(mask_hbm, mask_v)

        zero = jnp.zeros((_L,), jnp.int32)
        for g in range(ny // _L + 1):
            cols_v[pl.ds(g * _L, _L)] = zero

        lane = lax.iota(jnp.int32, _L)

        def comp_body(g, off):
            m = mask_v[pl.ds(g * _L, _L)] != 0
            s = jnp.where(m, jnp.int32(1), jnp.int32(0))
            for sh in (1, 2, 4, 8):
                tmp_v[...] = s
                sv = plsc.load_gather(tmp_v, [jnp.maximum(lane - sh, 0)])
                s = s + jnp.where(lane >= sh, sv, jnp.int32(0))
            tmp_v[...] = s
            tot = plsc.load_gather(tmp_v, [jnp.full((_L,), _L - 1,
                                                    jnp.int32)])
            ids = lane + g * _L
            plsc.store_scatter(cols_v, [off + s - 1], ids, mask=m)
            return off + tot
        lax.fori_loop(0, ny // _L, comp_body, jnp.zeros((_L,), jnp.int32))

        cols = [cols_v[pl.ds(g * _L, _L)] for g in range(ngroups)]

        row0 = wid * rows_per_w

        def in_slice(c):
            return x_hbm.at[pl.ds(row0 + c * chunk_rows, chunk_rows), :]

        chunks_per_plane = nx // chunk_rows

        def out_slice(c):
            plane = (rows_per_w // nx) * wid + c // chunks_per_plane
            x0 = (c % chunks_per_plane) * chunk_rows
            return out_hbm.at[plane // nc, plane % nc,
                              pl.ds(x0, chunk_rows), :]

        pltpu.async_copy(in_slice(0), in_bufs[0], isems[0])
        pltpu.async_copy(in_slice(1), in_bufs[1], isems[1])

        def outer(p, _):
            for b in range(2):
                c = 2 * p + b
                in_b, out_b = in_bufs[b], out_bufs[b]
                pltpu.make_async_copy(in_slice(c), in_b, isems[b]).wait()

                @pl.when(p > 0)
                def _():
                    pltpu.make_async_copy(out_b, out_slice(c),
                                          osems[b]).wait()

                @plsc.parallel_loop(0, chunk_rows)
                def _(r):
                    rv = jnp.full((_L,), 0, jnp.int32) + r
                    for g in range(ngroups):
                        v = plsc.load_gather(in_b, [rv, cols[g]])
                        out_b[r, pl.ds(g * _L, _L)] = v

                pltpu.async_copy(out_b, out_slice(c), osems[b])

                @pl.when(p < nchunks // 2 - 1)
                def _():
                    pltpu.async_copy(in_slice(c + 2), in_b, isems[b])
            return 0
        lax.fori_loop(0, nchunks // 2, outer, 0)

        for b in range(2):
            pltpu.make_async_copy(out_bufs[b],
                                  out_slice(nchunks - 2 + b),
                                  osems[b]).wait()

    return run(x2, mask_i32)

# --- scband reference (transcript-rebuilt; emitter-appended) ---
"""Pipeline reference for scband-sampling-operator2-d-7370163880082 (READ-ONLY COPY).

The authoritative reference and input builder live on the scoring server;
editing this copy changes nothing except your own understanding.
"""

import jax, jax.numpy as jnp
import numpy as np

NB, NC, NX, NY = 4, 16, 640, 640

def setup_inputs(seed: int = 0) -> dict:
    key = jax.random.key(seed)
    kspace_data = jax.random.normal(key, (NB, NC, NX, NY), dtype=jnp.float32)
    # Deterministic undersampling mask (2x acceleration: every other phase-encode line),
    # so the number of sampled lines is fixed and reproducible.
    mask_line = (np.arange(NY) % 2 == 0)
    mask = jnp.asarray(mask_line.reshape(1, 1, NY))
    return {"kspace_data": kspace_data, "mask": mask}

def reference(kspace_data, mask):
    # torch.masked_select with a [1,1,Ny] boolean mask broadcast against
    # [nb,nc,Nx,Ny] selects, for every (b,c,x), exactly the columns y where
    # mask[0,0,y] is True; the subsequent .view restores [nb,nc,Nx,n_sampled].
    # This is exactly a gather of the sampled columns along the last axis.
    mask_line = mask[0, 0, :]
    n_sampled = mask.shape[2] // 2
    cols = jnp.nonzero(mask_line, size=n_sampled)[0]
    out = jnp.take(kspace_data, cols, axis=3)
    return out

if __name__ == "__main__":
    import jax
    _d = setup_inputs()
    print(jax.jit(kernel)(*tuple(_d.values())))

</pallas_src>

<mosaic_0001>
#map = affine_map<(d0, d1) -> (0, 0)>
#map1 = affine_map<(d0, d1) -> (0)>
#map2 = affine_map<(d0, d1) -> (0, 0, 0, 0)>
module attributes {stable_mosaic.version = 14 : i64} {
  func.func @run(%arg0: i32, %arg1: i32, %arg2: memref<40960x640xf32, #tpu.memory_space<hbm>>, %arg3: memref<640xi32, #tpu.memory_space<hbm>>, %arg4: memref<4x16x640x320xf32, #tpu.memory_space<hbm>>, %arg5: memref<40x640xf32, #tpu.memory_space<vmem>>, %arg6: memref<40x640xf32, #tpu.memory_space<vmem>>, %arg7: memref<40x320xf32, #tpu.memory_space<vmem>>, %arg8: memref<40x320xf32, #tpu.memory_space<vmem>>, %arg9: memref<640xi32, #tpu.memory_space<vmem>>, %arg10: memref<656xi32, #tpu.memory_space<vmem>>, %arg11: memref<16xi32, #tpu.memory_space<vmem>>, %arg12: memref<!tpu.dma_semaphore, #tpu.memory_space<semaphore_mem>>, %arg13: memref<!tpu.dma_semaphore, #tpu.memory_space<semaphore_mem>>, %arg14: memref<!tpu.dma_semaphore, #tpu.memory_space<semaphore_mem>>, %arg15: memref<!tpu.dma_semaphore, #tpu.memory_space<semaphore_mem>>) attributes {dimension_semantics = [#tpu.dimension_semantics<core_parallel>, #tpu.dimension_semantics<subcore_parallel>], iteration_bounds = array<i64: 2, 16>, scalar_prefetch = 0 : i64, scratch_operands = 11 : i64, tpu.core_type = #tpu.core_type<sc_vector_subcore>, window_params = [{transform_indices = #map}, {transform_indices = #map1}, {transform_indices = #map2}]} {
    %mul3A = arith.constant 2 : i32
    %mul3A_0 = arith.muli %arg1, %mul3A : i32
    %add3A = arith.addi %mul3A_0, %arg0 : i32
    "tpu.region"() ({
      %run_scoped3A = tpu.sem_alloc : memref<!tpu.dma_semaphore, #tpu.memory_space<semaphore_mem>>
      tpu.enqueue_dma source(%arg3 : memref<640xi32, #tpu.memory_space<hbm>>) target(%arg9 : memref<640xi32, #tpu.memory_space<vmem>>) target_semaphore(%run_scoped3A : memref<!tpu.dma_semaphore, #tpu.memory_space<semaphore_mem>>)
      tpu.wait_dma2 semaphore(%run_scoped3A : memref<!tpu.dma_semaphore, #tpu.memory_space<semaphore_mem>>) src(%arg3 : memref<640xi32, #tpu.memory_space<hbm>>) dst(%arg9 : memref<640xi32, #tpu.memory_space<vmem>>)
      tpu.yield
    }) : () -> ()
    %broadcast_in_dim3A = arith.constant 0 : i32
    %broadcast_in_dim3A_1 = vector.broadcast %broadcast_in_dim3A : i32 to vector<16xi32>
    %swap3A = arith.constant 0 : index
    %swap3A_2 = tpu.vector_load %arg10[%swap3A] {strides = array<i32>} : memref<656xi32, #tpu.memory_space<vmem>>, vector<16xi32>,
    tpu.vector_store %arg10[%swap3A], %broadcast_in_dim3A_1 {strides = array<i32>} : memref<656xi32, #tpu.memory_space<vmem>>, vector<16xi32>,
    %swap3A_3 = arith.constant 16 : index
    %swap3A_4 = tpu.vector_load %arg10[%swap3A_3] {strides = array<i32>} : memref<656xi32, #tpu.memory_space<vmem>>, vector<16xi32>,
    tpu.vector_store %arg10[%swap3A_3], %broadcast_in_dim3A_1 {strides = array<i32>} : memref<656xi32, #tpu.memory_space<vmem>>, vector<16xi32>,
    %swap3A_5 = arith.constant 32 : index
    %swap3A_6 = tpu.vector_load %arg10[%swap3A_5] {strides = array<i32>} : memref<656xi32, #tpu.memory_space<vmem>>, vector<16xi32>,
    tpu.vector_store %arg10[%swap3A_5], %broadcast_in_dim3A_1 {strides = array<i32>} : memref<656xi32, #tpu.memory_space<vmem>>, vector<16xi32>,
    %swap3A_7 = arith.constant 48 : index
    %swap3A_8 = tpu.vector_load %arg10[%swap3A_7] {strides = array<i32>} : memref<656xi32, #tpu.memory_space<vmem>>, vector<16xi32>,
    tpu.vector_store %arg10[%swap3A_7], %broadcast_in_dim3A_1 {strides = array<i32>} : memref<656xi32, #tpu.memory_space<vmem>>, vector<16xi32>,
    %swap3A_9 = arith.constant 64 : index
    %swap3A_10 = tpu.vector_load %arg10[%swap3A_9] {strides = array<i32>} : memref<656xi32, #tpu.memory_space<vmem>>, vector<16xi32>,
    tpu.vector_store %arg10[%swap3A_9], %broadcast_in_dim3A_1 {strides = array<i32>} : memref<656xi32, #tpu.memory_space<vmem>>, vector<16xi32>,
    %swap3A_11 = arith.constant 80 : index
    %swap3A_12 = tpu.vector_load %arg10[%swap3A_11] {strides = array<i32>} : memref<656xi32, #tpu.memory_space<vmem>>, vector<16xi32>,
    tpu.vector_store %arg10[%swap3A_11], %broadcast_in_dim3A_1 {strides = array<i32>} : memref<656xi32, #tpu.memory_space<vmem>>, vector<16xi32>,
    %swap3A_13 = arith.constant 96 : index
    %swap3A_14 = tpu.vector_load %arg10[%swap3A_13] {strides = array<i32>} : memref<656xi32, #tpu.memory_space<vmem>>, vector<16xi32>,
    tpu.vector_store %arg10[%swap3A_13], %broadcast_in_dim3A_1 {strides = array<i32>} : memref<656xi32, #tpu.memory_space<vmem>>, vector<16xi32>,
    %swap3A_15 = arith.constant 112 : index
    %swap3A_16 = tpu.vector_load %arg10[%swap3A_15] {strides = array<i32>} : memref<656xi32, #tpu.memory_space<vmem>>, vector<16xi32>,
    tpu.vector_store %arg10[%swap3A_15], %broadcast_in_dim3A_1 {strides = array<i32>} : memref<656xi32, #tpu.memory_space<vmem>>, vector<16xi32>,
    %swap3A_17 = arith.constant 128 : index
    %swap3A_18 = tpu.vector_load %arg10[%swap3A_17] {strides = array<i32>} : memref<656xi32, #tpu.memory_space<vmem>>, vector<16xi32>,
    tpu.vector_store %arg10[%swap3A_17], %broadcast_in_dim3A_1 {strides = array<i32>} : memref<656xi32, #tpu.memory_space<vmem>>, vector<16xi32>,
    %swap3A_19 = arith.constant 144 : index
    %swap3A_20 = tpu.vector_load %arg10[%swap3A_19] {strides = array<i32>} : memref<656xi32, #tpu.memory_space<vmem>>, vector<16xi32>,
    tpu.vector_store %arg10[%swap3A_19], %broadcast_in_dim3A_1 {strides = array<i32>} : memref<656xi32, #tpu.memory_space<vmem>>, vector<16xi32>,
    %swap3A_21 = arith.constant 160 : index
    %swap3A_22 = tpu.vector_load %arg10[%swap3A_21] {strides = array<i32>} : memref<656xi32, #tpu.memory_space<vmem>>, vector<16xi32>,
    tpu.vector_store %arg10[%swap3A_21], %broadcast_in_dim3A_1 {strides = array<i32>} : memref<656xi32, #tpu.memory_space<vmem>>, vector<16xi32>,
    %swap3A_23 = arith.constant 176 : index
    %swap3A_24 = tpu.vector_load %arg10[%swap3A_23] {strides = array<i32>} : memref<656xi32, #tpu.memory_space<vmem>>, vector<16xi32>,
    tpu.vector_store %arg10[%swap3A_23], %broadcast_in_dim3A_1 {strides = array<i32>} : memref<656xi32, #tpu.memory_space<vmem>>, vector<16xi32>,
    %swap3A_25 = arith.constant 192 : index
    %swap3A_26 = tpu.vector_load %arg10[%swap3A_25] {strides = array<i32>} : memref<656xi32, #tpu.memory_space<vmem>>, vector<16xi32>,
    tpu.vector_store %arg10[%swap3A_25], %broadcast_in_dim3A_1 {strides = array<i32>} : memref<656xi32, #tpu.memory_space<vmem>>, vector<16xi32>,
    %swap3A_27 = arith.constant 208 : index
    %swap3A_28 = tpu.vector_load %arg10[%swap3A_27] {strides = array<i32>} : memref<656xi32, #tpu.memory_space<vmem>>, vector<16xi32>,
    tpu.vector_store %arg10[%swap3A_27], %broadcast_in_dim3A_1 {strides = array<i32>} : memref<656xi32, #tpu.memory_space<vmem>>, vector<16xi32>,
    %swap3A_29 = arith.constant 224 : index
    %swap3A_30 = tpu.vector_load %arg10[%swap3A_29] {strides = array<i32>} : memref<656xi32, #tpu.memory_space<vmem>>, vector<16xi32>,
    tpu.vector_store %arg10[%swap3A_29], %broadcast_in_dim3A_1 {strides = array<i32>} : memref<656xi32, #tpu.memory_space<vmem>>, vector<16xi32>,
    %swap3A_31 = arith.constant 240 : index
    %swap3A_32 = tpu.vector_load %arg10[%swap3A_31] {strides = array<i32>} : memref<656xi32, #tpu.memory_space<vmem>>, vector<16xi32>,
    tpu.vector_store %arg10[%swap3A_31], %broadcast_in_dim3A_1 {strides = array<i32>} : memref<656xi32, #tpu.memory_space<vmem>>, vector<16xi32>,
    %swap3A_33 = arith.constant 256 : index
    %swap3A_34 = tpu.vector_load %arg10[%swap3A_33] {strides = array<i32>} : memref<656xi32, #tpu.memory_space<vmem>>, vector<16xi32>,
    tpu.vector_store %arg10[%swap3A_33], %broadcast_in_dim3A_1 {strides = array<i32>} : memref<656xi32, #tpu.memory_space<vmem>>, vector<16xi32>,
    %swap3A_35 = arith.constant 272 : index
    %swap3A_36 = tpu.vector_load %arg10[%swap3A_35] {strides = array<i32>} : memref<656xi32, #tpu.memory_space<vmem>>, vector<16xi32>,
    tpu.vector_store %arg10[%swap3A_35], %broadcast_in_dim3A_1 {strides = array<i32>} : memref<656xi32, #tpu.memory_space<vmem>>, vector<16xi32>,
    %swap3A_37 = arith.constant 288 : index
    %swap3A_38 = tpu.vector_load %arg10[%swap3A_37] {strides = array<i32>} : memref<656xi32, #tpu.memory_space<vmem>>, vector<16xi32>,
    tpu.vector_store %arg10[%swap3A_37], %broadcast_in_dim3A_1 {strides = array<i32>} : memref<656xi32, #tpu.memory_space<vmem>>, vector<16xi32>,
    %swap3A_39 = arith.constant 304 : index
    %swap3A_40 = tpu.vector_load %arg10[%swap3A_39] {strides = array<i32>} : memref<656xi32, #tpu.memory_space<vmem>>, vector<16xi32>,
    tpu.vector_store %arg10[%swap3A_39], %broadcast_in_dim3A_1 {strides = array<i32>} : memref<656xi32, #tpu.memory_space<vmem>>, vector<16xi32>,
    %swap3A_41 = arith.constant 320 : index
    %swap3A_42 = tpu.vector_load %arg10[%swap3A_41] {strides = array<i32>} : memref<656xi32, #tpu.memory_space<vmem>>, vector<16xi32>,
    tpu.vector_store %arg10[%swap3A_41], %broadcast_in_dim3A_1 {strides = array<i32>} : memref<656xi32, #tpu.memory_space<vmem>>, vector<16xi32>,
    %swap3A_43 = arith.constant 336 : index
    %swap3A_44 = tpu.vector_load %arg10[%swap3A_43] {strides = array<i32>} : memref<656xi32, #tpu.memory_space<vmem>>, vector<16xi32>,
    tpu.vector_store %arg10[%swap3A_43], %broadcast_in_dim3A_1 {strides = array<i32>} : memref<656xi32, #tpu.memory_space<vmem>>, vector<16xi32>,
    %swap3A_45 = arith.constant 352 : index
    %swap3A_46 = tpu.vector_load %arg10[%swap3A_45] {strides = array<i32>} : memref<656xi32, #tpu.memory_space<vmem>>, vector<16xi32>,
    tpu.vector_store %arg10[%swap3A_45], %broadcast_in_dim3A_1 {strides = array<i32>} : memref<656xi32, #tpu.memory_space<vmem>>, vector<16xi32>,
    %swap3A_47 = arith.constant 368 : index
    %swap3A_48 = tpu.vector_load %arg10[%swap3A_47] {strides = array<i32>} : memref<656xi32, #tpu.memory_space<vmem>>, vector<16xi32>,
    tpu.vector_store %arg10[%swap3A_47], %broadcast_in_dim3A_1 {strides = array<i32>} : memref<656xi32, #tpu.memory_space<vmem>>, vector<16xi32>,
    %swap3A_49 = arith.constant 384 : index
    %swap3A_50 = tpu.vector_load %arg10[%swap3A_49] {strides = array<i32>} : memref<656xi32, #tpu.memory_space<vmem>>, vector<16xi32>,
    tpu.vector_store %arg10[%swap3A_49], %broadcast_in_dim3A_1 {strides = array<i32>} : memref<656xi32, #tpu.memory_space<vmem>>, vector<16xi32>,
    %swap3A_51 = arith.constant 400 : index
    %swap3A_52 = tpu.vector_load %arg10[%swap3A_51] {strides = array<i32>} : memref<656xi32, #tpu.memory_space<vmem>>, vector<16xi32>,
    tpu.vector_store %arg10[%swap3A_51], %broadcast_in_dim3A_1 {strides = array<i32>} : memref<656xi32, #tpu.memory_space<vmem>>, vector<16xi32>,
    %swap3A_53 = arith.constant 416 : index
    %swap3A_54 = tpu.vector_load %arg10[%swap3A_53] {strides = array<i32>} : memref<656xi32, #tpu.memory_space<vmem>>, vector<16xi32>,
    tpu.vector_store %arg10[%swap3A_53], %broadcast_in_dim3A_1 {strides = array<i32>} : memref<656xi32, #tpu.memory_space<vmem>>, vector<16xi32>,
    %swap3A_55 = arith.constant 432 : index
    %swap3A_56 = tpu.vector_load %arg10[%swap3A_55] {strides = array<i32>} : memref<656xi32, #tpu.memory_space<vmem>>, vector<16xi32>,
    tpu.vector_store %arg10[%swap3A_55], %broadcast_in_dim3A_1 {strides = array<i32>} : memref<656xi32, #tpu.memory_space<vmem>>, vector<16xi32>,
    %swap3A_57 = arith.constant 448 : index
    %swap3A_58 = tpu.vector_load %arg10[%swap3A_57] {strides = array<i32>} : memref<656xi32, #tpu.memory_space<vmem>>, vector<16xi32>,
    tpu.vector_store %arg10[%swap3A_57], %broadcast_in_dim3A_1 {strides = array<i32>} : memref<656xi32, #tpu.memory_space<vmem>>, vector<16xi32>,
    %swap3A_59 = arith.constant 464 : index
    %swap3A_60 = tpu.vector_load %arg10[%swap3A_59] {strides = array<i32>} : memref<656xi32, #tpu.memory_space<vmem>>, vector<16xi32>,
    tpu.vector_store %arg10[%swap3A_59], %broadcast_in_dim3A_1 {strides = array<i32>} : memref<656xi32, #tpu.memory_space<vmem>>, vector<16xi32>,
    %swap3A_61 = arith.constant 480 : index
    %swap3A_62 = tpu.vector_load %arg10[%swap3A_61] {strides = array<i32>} : memref<656xi32, #tpu.memory_space<vmem>>, vector<16xi32>,
    tpu.vector_store %arg10[%swap3A_61], %broadcast_in_dim3A_1 {strides = array<i32>} : memref<656xi32, #tpu.memory_space<vmem>>, vector<16xi32>,
    %swap3A_63 = arith.constant 496 : index
    %swap3A_64 = tpu.vector_load %arg10[%swap3A_63] {strides = array<i32>} : memref<656xi32, #tpu.memory_space<vmem>>, vector<16xi32>,
    tpu.vector_store %arg10[%swap3A_63], %broadcast_in_dim3A_1 {strides = array<i32>} : memref<656xi32, #tpu.memory_space<vmem>>, vector<16xi32>,
    %swap3A_65 = arith.constant 512 : index
    %swap3A_66 = tpu.vector_load %arg10[%swap3A_65] {strides = array<i32>} : memref<656xi32, #tpu.memory_space<vmem>>, vector<16xi32>,
    tpu.vector_store %arg10[%swap3A_65], %broadcast_in_dim3A_1 {strides = array<i32>} : memref<656xi32, #tpu.memory_space<vmem>>, vector<16xi32>,
    %swap3A_67 = arith.constant 528 : index
    %swap3A_68 = tpu.vector_load %arg10[%swap3A_67] {strides = array<i32>} : memref<656xi32, #tpu.memory_space<vmem>>, vector<16xi32>,
    tpu.vector_store %arg10[%swap3A_67], %broadcast_in_dim3A_1 {strides = array<i32>} : memref<656xi32, #tpu.memory_space<vmem>>, vector<16xi32>,
    %swap3A_69 = arith.constant 544 : index
    %swap3A_70 = tpu.vector_load %arg10[%swap3A_69] {strides = array<i32>} : memref<656xi32, #tpu.memory_space<vmem>>, vector<16xi32>,
    tpu.vector_store %arg10[%swap3A_69], %broadcast_in_dim3A_1 {strides = array<i32>} : memref<656xi32, #tpu.memory_space<vmem>>, vector<16xi32>,
    %swap3A_71 = arith.constant 560 : index
    %swap3A_72 = tpu.vector_load %arg10[%swap3A_71] {strides = array<i32>} : memref<656xi32, #tpu.memory_space<vmem>>, vector<16xi32>,
    tpu.vector_store %arg10[%swap3A_71], %broadcast_in_dim3A_1 {strides = array<i32>} : memref<656xi32, #tpu.memory_space<vmem>>, vector<16xi32>,
    %swap3A_73 = arith.constant 576 : index
    %swap3A_74 = tpu.vector_load %arg10[%swap3A_73] {strides = array<i32>} : memref<656xi32, #tpu.memory_space<vmem>>, vector<16xi32>,
    tpu.vector_store %arg10[%swap3A_73], %broadcast_in_dim3A_1 {strides = array<i32>} : memref<656xi32, #tpu.memory_space<vmem>>, vector<16xi32>,
    %swap3A_75 = arith.constant 592 : index
    %swap3A_76 = tpu.vector_load %arg10[%swap3A_75] {strides = array<i32>} : memref<656xi32, #tpu.memory_space<vmem>>, vector<16xi32>,
    tpu.vector_store %arg10[%swap3A_75], %broadcast_in_dim3A_1 {strides = array<i32>} : memref<656xi32, #tpu.memory_space<vmem>>, vector<16xi32>,
    %swap3A_77 = arith.constant 608 : index
    %swap3A_78 = tpu.vector_load %arg10[%swap3A_77] {strides = array<i32>} : memref<656xi32, #tpu.memory_space<vmem>>, vector<16xi32>,
    tpu.vector_store %arg10[%swap3A_77], %broadcast_in_dim3A_1 {strides = array<i32>} : memref<656xi32, #tpu.memory_space<vmem>>, vector<16xi32>,
    %swap3A_79 = arith.constant 624 : index
    %swap3A_80 = tpu.vector_load %arg10[%swap3A_79] {strides = array<i32>} : memref<656xi32, #tpu.memory_space<vmem>>, vector<16xi32>,
    tpu.vector_store %arg10[%swap3A_79], %broadcast_in_dim3A_1 {strides = array<i32>} : memref<656xi32, #tpu.memory_space<vmem>>, vector<16xi32>,
    %swap3A_81 = arith.constant 640 : index
    %swap3A_82 = tpu.vector_load %arg10[%swap3A_81] {strides = array<i32>} : memref<656xi32, #tpu.memory_space<vmem>>, vector<16xi32>,
    tpu.vector_store %arg10[%swap3A_81], %broadcast_in_dim3A_1 {strides = array<i32>} : memref<656xi32, #tpu.memory_space<vmem>>, vector<16xi32>,
    %iota3A = tpu.iota {dimensions = array<i32: 0>} : vector<16xi32>
    %broadcast_in_dim3A_83 = arith.constant 0 : i32
    %broadcast_in_dim3A_84 = vector.broadcast %broadcast_in_dim3A_83 : i32 to vector<16xi32>
    %scan3A = arith.constant 0 : i32
    %scan3A_85 = arith.constant 40 : i32
    %scan3A_86 = arith.addi %scan3A, %scan3A_85 : i32
    %scan3A_87 = arith.constant 1 : i32
    %scan3A_88 = scf.for %scan3A_242 = %scan3A to %scan3A_86 step %scan3A_87 iter_args(%scan3A_243 = %broadcast_in_dim3A_84) -> (vector<16xi32>)  : i32 {
      %mul3A_244 = arith.constant 16 : i32
      %mul3A_245 = arith.muli %scan3A_242, %mul3A_244 : i32
      %get3A_246 = arith.index_cast %mul3A_245 : i32 to index
      %get3A_247 = tpu.vector_load %arg9[%get3A_246] {strides = array<i32>} : memref<640xi32, #tpu.memory_space<vmem>>, vector<16xi32>,
      %ne3A_248 = arith.constant 0 : i32
      %ne3A_249 = vector.broadcast %ne3A_248 : i32 to vector<16xi32>
      %ne3A_250 = arith.cmpi ne, %get3A_247, %ne3A_249 : vector<16xi32>
      %jit3A_251 = arith.constant 1 : i32
      %jit3A_252 = arith.constant 0 : i32
      %broadcast_in_dim3A_253 = vector.broadcast %jit3A_251 : i32 to vector<16xi32>
      %broadcast_in_dim3A_254 = vector.broadcast %jit3A_252 : i32 to vector<16xi32>
      %select_n3A_255 = arith.select %ne3A_250, %broadcast_in_dim3A_253, %broadcast_in_dim3A_254 : vector<16xi1>, vector<16xi32>
      %swap3A_256 = arith.constant 0 : index
      %swap3A_257 = tpu.vector_load %arg11[%swap3A_256] {strides = array<i32>} : memref<16xi32, #tpu.memory_space<vmem>>, vector<16xi32>,
      tpu.vector_store %arg11[%swap3A_256], %select_n3A_255 {strides = array<i32>} : memref<16xi32, #tpu.memory_space<vmem>>, vector<16xi32>,
      %sub3A_258 = arith.constant 1 : i32
      %sub3A_259 = vector.broadcast %sub3A_258 : i32 to vector<16xi32>
      %sub3A_260 = arith.subi %iota3A, %sub3A_259 : vector<16xi32>
      %max3A = arith.constant 0 : i32
      %max3A_261 = vector.broadcast %max3A : i32 to vector<16xi32>
      %max3A_262 = arith.maxsi %sub3A_260, %max3A_261 : vector<16xi32>
      %gather3A = tpu.vector_load_idx %arg11[%max3A_262] : memref<16xi32, #tpu.memory_space<vmem>>[vector<16xi32>], vector<16xi32>,
      %ge3A = arith.constant 1 : i32
      %ge3A_263 = vector.broadcast %ge3A : i32 to vector<16xi32>
      %ge3A_264 = arith.cmpi sge, %iota3A, %ge3A_263 : vector<16xi32>
      %jit3A_265 = arith.constant 0 : i32
      %broadcast_in_dim3A_266 = vector.broadcast %jit3A_265 : i32 to vector<16xi32>
      %select_n3A_267 = arith.select %ge3A_264, %gather3A, %broadcast_in_dim3A_266 : vector<16xi1>, vector<16xi32>
      %add3A_268 = arith.addi %select_n3A_255, %select_n3A_267 : vector<16xi32>
      %swap3A_269 = arith.constant 0 : index
      %swap3A_270 = tpu.vector_load %arg11[%swap3A_269] {strides = array<i32>} : memref<16xi32, #tpu.memory_space<vmem>>, vector<16xi32>,
      tpu.vector_store %arg11[%swap3A_269], %add3A_268 {strides = array<i32>} : memref<16xi32, #tpu.memory_space<vmem>>, vector<16xi32>,
      %sub3A_271 = arith.constant 2 : i32
      %sub3A_272 = vector.broadcast %sub3A_271 : i32 to vector<16xi32>
      %sub3A_273 = arith.subi %iota3A, %sub3A_272 : vector<16xi32>
      %max3A_274 = arith.constant 0 : i32
      %max3A_275 = vector.broadcast %max3A_274 : i32 to vector<16xi32>
      %max3A_276 = arith.maxsi %sub3A_273, %max3A_275 : vector<16xi32>
      %gather3A_277 = tpu.vector_load_idx %arg11[%max3A_276] : memref<16xi32, #tpu.memory_space<vmem>>[vector<16xi32>], vector<16xi32>,
      %ge3A_278 = arith.constant 2 : i32
      %ge3A_279 = vector.broadcast %ge3A_278 : i32 to vector<16xi32>
      %ge3A_280 = arith.cmpi sge, %iota3A, %ge3A_279 : vector<16xi32>
      %jit3A_281 = arith.constant 0 : i32
      %broadcast_in_dim3A_282 = vector.broadcast %jit3A_281 : i32 to vector<16xi32>
      %select_n3A_283 = arith.select %ge3A_280, %gather3A_277, %broadcast_in_dim3A_282 : vector<16xi1>, vector<16xi32>
      %add3A_284 = arith.addi %add3A_268, %select_n3A_283 : vector<16xi32>
      %swap3A_285 = arith.constant 0 : index
      %swap3A_286 = tpu.vector_load %arg11[%swap3A_285] {strides = array<i32>} : memref<16xi32, #tpu.memory_space<vmem>>, vector<16xi32>,
      tpu.vector_store %arg11[%swap3A_285], %add3A_284 {strides = array<i32>} : memref<16xi32, #tpu.memory_space<vmem>>, vector<16xi32>,
      %sub3A_287 = arith.constant 4 : i32
      %sub3A_288 = vector.broadcast %sub3A_287 : i32 to vector<16xi32>
      %sub3A_289 = arith.subi %iota3A, %sub3A_288 : vector<16xi32>
      %max3A_290 = arith.constant 0 : i32
      %max3A_291 = vector.broadcast %max3A_290 : i32 to vector<16xi32>
      %max3A_292 = arith.maxsi %sub3A_289, %max3A_291 : vector<16xi32>
      %gather3A_293 = tpu.vector_load_idx %arg11[%max3A_292] : memref<16xi32, #tpu.memory_space<vmem>>[vector<16xi32>], vector<16xi32>,
      %ge3A_294 = arith.constant 4 : i32
      %ge3A_295 = vector.broadcast %ge3A_294 : i32 to vector<16xi32>
      %ge3A_296 = arith.cmpi sge, %iota3A, %ge3A_295 : vector<16xi32>
      %jit3A_297 = arith.constant 0 : i32
      %broadcast_in_dim3A_298 = vector.broadcast %jit3A_297 : i32 to vector<16xi32>
      %select_n3A_299 = arith.select %ge3A_296, %gather3A_293, %broadcast_in_dim3A_298 : vector<16xi1>, vector<16xi32>
      %add3A_300 = arith.addi %add3A_284, %select_n3A_299 : vector<16xi32>
      %swap3A_301 = arith.constant 0 : index
      %swap3A_302 = tpu.vector_load %arg11[%swap3A_301] {strides = array<i32>} : memref<16xi32, #tpu.memory_space<vmem>>, vector<16xi32>,
      tpu.vector_store %arg11[%swap3A_301], %add3A_300 {strides = array<i32>} : memref<16xi32, #tpu.memory_space<vmem>>, vector<16xi32>,
      %sub3A_303 = arith.constant 8 : i32
      %sub3A_304 = vector.broadcast %sub3A_303 : i32 to vector<16xi32>
      %sub3A_305 = arith.subi %iota3A, %sub3A_304 : vector<16xi32>
      %max3A_306 = arith.constant 0 : i32
      %max3A_307 = vector.broadcast %max3A_306 : i32 to vector<16xi32>
      %max3A_308 = arith.maxsi %sub3A_305, %max3A_307 : vector<16xi32>
      %gather3A_309 = tpu.vector_load_idx %arg11[%max3A_308] : memref<16xi32, #tpu.memory_space<vmem>>[vector<16xi32>], vector<16xi32>,
      %ge3A_310 = arith.constant 8 : i32
      %ge3A_311 = vector.broadcast %ge3A_310 : i32 to vector<16xi32>
      %ge3A_312 = arith.cmpi sge, %iota3A, %ge3A_311 : vector<16xi32>
      %jit3A_313 = arith.constant 0 : i32
      %broadcast_in_dim3A_314 = vector.broadcast %jit3A_313 : i32 to vector<16xi32>
      %select_n3A_315 = arith.select %ge3A_312, %gather3A_309, %broadcast_in_dim3A_314 : vector<16xi1>, vector<16xi32>
      %add3A_316 = arith.addi %add3A_300, %select_n3A_315 : vector<16xi32>
      %swap3A_317 = arith.constant 0 : index
      %swap3A_318 = tpu.vector_load %arg11[%swap3A_317] {strides = array<i32>} : memref<16xi32, #tpu.memory_space<vmem>>, vector<16xi32>,
      tpu.vector_store %arg11[%swap3A_317], %add3A_316 {strides = array<i32>} : memref<16xi32, #tpu.memory_space<vmem>>, vector<16xi32>,
      %broadcast_in_dim3A_319 = arith.constant 15 : i32
      %broadcast_in_dim3A_320 = vector.broadcast %broadcast_in_dim3A_319 : i32 to vector<16xi32>
      %gather3A_321 = tpu.vector_load_idx %arg11[%broadcast_in_dim3A_320] : memref<16xi32, #tpu.memory_space<vmem>>[vector<16xi32>], vector<16xi32>,
      %mul3A_322 = arith.constant 16 : i32
      %mul3A_323 = arith.muli %scan3A_242, %mul3A_322 : i32
      %add3A_324 = vector.broadcast %mul3A_323 : i32 to vector<16xi32>
      %add3A_325 = arith.addi %iota3A, %add3A_324 : vector<16xi32>
      %add3A_326 = arith.addi %scan3A_243, %add3A_316 : vector<16xi32>
      %sub3A_327 = arith.constant 1 : i32
      %sub3A_328 = vector.broadcast %sub3A_327 : i32 to vector<16xi32>
      %sub3A_329 = arith.subi %add3A_326, %sub3A_328 : vector<16xi32>
      tpu.vector_store_idx %arg10[%sub3A_329], %add3A_325 masked %ne3A_250 : memref<656xi32, #tpu.memory_space<vmem>>[vector<16xi32>], vector<16xi32>, vector<16xi1>
      %add3A_330 = arith.addi %scan3A_243, %gather3A_321 : vector<16xi32>
      scf.yield %add3A_330 : vector<16xi32>
    }
    %scan3A_89 = arith.constant 40 : i32
    %get3A = arith.constant 0 : index
    %get3A_90 = tpu.vector_load %arg10[%get3A] {strides = array<i32>} : memref<656xi32, #tpu.memory_space<vmem>>, vector<16xi32>,
    %get3A_91 = arith.constant 16 : index
    %get3A_92 = tpu.vector_load %arg10[%get3A_91] {strides = array<i32>} : memref<656xi32, #tpu.memory_space<vmem>>, vector<16xi32>,
    %get3A_93 = arith.constant 32 : index
    %get3A_94 = tpu.vector_load %arg10[%get3A_93] {strides = array<i32>} : memref<656xi32, #tpu.memory_space<vmem>>, vector<16xi32>,
    %get3A_95 = arith.constant 48 : index
    %get3A_96 = tpu.vector_load %arg10[%get3A_95] {strides = array<i32>} : memref<656xi32, #tpu.memory_space<vmem>>, vector<16xi32>,
    %get3A_97 = arith.constant 64 : index
    %get3A_98 = tpu.vector_load %arg10[%get3A_97] {strides = array<i32>} : memref<656xi32, #tpu.memory_space<vmem>>, vector<16xi32>,
    %get3A_99 = arith.constant 80 : index
    %get3A_100 = tpu.vector_load %arg10[%get3A_99] {strides = array<i32>} : memref<656xi32, #tpu.memory_space<vmem>>, vector<16xi32>,
    %get3A_101 = arith.constant 96 : index
    %get3A_102 = tpu.vector_load %arg10[%get3A_101] {strides = array<i32>} : memref<656xi32, #tpu.memory_space<vmem>>, vector<16xi32>,
    %get3A_103 = arith.constant 112 : index
    %get3A_104 = tpu.vector_load %arg10[%get3A_103] {strides = array<i32>} : memref<656xi32, #tpu.memory_space<vmem>>, vector<16xi32>,
    %get3A_105 = arith.constant 128 : index
    %get3A_106 = tpu.vector_load %arg10[%get3A_105] {strides = array<i32>} : memref<656xi32, #tpu.memory_space<vmem>>, vector<16xi32>,
    %get3A_107 = arith.constant 144 : index
    %get3A_108 = tpu.vector_load %arg10[%get3A_107] {strides = array<i32>} : memref<656xi32, #tpu.memory_space<vmem>>, vector<16xi32>,
    %get3A_109 = arith.constant 160 : index
    %get3A_110 = tpu.vector_load %arg10[%get3A_109] {strides = array<i32>} : memref<656xi32, #tpu.memory_space<vmem>>, vector<16xi32>,
    %get3A_111 = arith.constant 176 : index
    %get3A_112 = tpu.vector_load %arg10[%get3A_111] {strides = array<i32>} : memref<656xi32, #tpu.memory_space<vmem>>, vector<16xi32>,
    %get3A_113 = arith.constant 192 : index
    %get3A_114 = tpu.vector_load %arg10[%get3A_113] {strides = array<i32>} : memref<656xi32, #tpu.memory_space<vmem>>, vector<16xi32>,
    %get3A_115 = arith.constant 208 : index
    %get3A_116 = tpu.vector_load %arg10[%get3A_115] {strides = array<i32>} : memref<656xi32, #tpu.memory_space<vmem>>, vector<16xi32>,
    %get3A_117 = arith.constant 224 : index
    %get3A_118 = tpu.vector_load %arg10[%get3A_117] {strides = array<i32>} : memref<656xi32, #tpu.memory_space<vmem>>, vector<16xi32>,
    %get3A_119 = arith.constant 240 : index
    %get3A_120 = tpu.vector_load %arg10[%get3A_119] {strides = array<i32>} : memref<656xi32, #tpu.memory_space<vmem>>, vector<16xi32>,
    %get3A_121 = arith.constant 256 : index
    %get3A_122 = tpu.vector_load %arg10[%get3A_121] {strides = array<i32>} : memref<656xi32, #tpu.memory_space<vmem>>, vector<16xi32>,
    %get3A_123 = arith.constant 272 : index
    %get3A_124 = tpu.vector_load %arg10[%get3A_123] {strides = array<i32>} : memref<656xi32, #tpu.memory_space<vmem>>, vector<16xi32>,
    %get3A_125 = arith.constant 288 : index
    %get3A_126 = tpu.vector_load %arg10[%get3A_125] {strides = array<i32>} : memref<656xi32, #tpu.memory_space<vmem>>, vector<16xi32>,
    %get3A_127 = arith.constant 304 : index
    %get3A_128 = tpu.vector_load %arg10[%get3A_127] {strides = array<i32>} : memref<656xi32, #tpu.memory_space<vmem>>, vector<16xi32>,
    %mul3A_129 = arith.constant 1280 : i32
    %mul3A_130 = arith.muli %add3A, %mul3A_129 : i32
    %add3A_131 = arith.constant 0 : i32
    %add3A_132 = arith.addi %mul3A_130, %add3A_131 : i32
    %dma_start3A = arith.constant 0 : i32
    %dma_start3A_133 = tpu.memref_slice %arg2[%add3A_132, %dma_start3A] : memref<40960x640xf32, #tpu.memory_space<hbm>> -> memref<40x640xf32, #tpu.memory_space<hbm>>
    %dma_start3A_134 = arith.constant 0 : i32
    %dma_start3A_135 = tpu.memref_slice %arg2[%add3A_132, %dma_start3A_134] : memref<40960x640xf32, #tpu.memory_space<hbm>> -> memref<40x640xf32, #tpu.memory_space<hbm>>
    tpu.enqueue_dma source(%dma_start3A_135 : memref<40x640xf32, #tpu.memory_space<hbm>>) target(%arg5 : memref<40x640xf32, #tpu.memory_space<vmem>>) target_semaphore(%arg12 : memref<!tpu.dma_semaphore, #tpu.memory_space<semaphore_mem>>)
    %add3A_136 = arith.constant 40 : i32
    %add3A_137 = arith.addi %mul3A_130, %add3A_136 : i32
    %dma_start3A_138 = arith.constant 0 : i32
    %dma_start3A_139 = tpu.memref_slice %arg2[%add3A_137, %dma_start3A_138] : memref<40960x640xf32, #tpu.memory_space<hbm>> -> memref<40x640xf32, #tpu.memory_space<hbm>>
    %dma_start3A_140 = arith.constant 0 : i32
    %dma_start3A_141 = tpu.memref_slice %arg2[%add3A_137, %dma_start3A_140] : memref<40960x640xf32, #tpu.memory_space<hbm>> -> memref<40x640xf32, #tpu.memory_space<hbm>>
    tpu.enqueue_dma source(%dma_start3A_141 : memref<40x640xf32, #tpu.memory_space<hbm>>) target(%arg6 : memref<40x640xf32, #tpu.memory_space<vmem>>) target_semaphore(%arg13 : memref<!tpu.dma_semaphore, #tpu.memory_space<semaphore_mem>>)
    %scan3A_142 = arith.constant 0 : i32
    %scan3A_143 = arith.constant 0 : i32
    %scan3A_144 = arith.constant 16 : i32
    %scan3A_145 = arith.addi %scan3A_143, %scan3A_144 : i32
    %scan3A_146 = arith.constant 1 : i32
    %scan3A_147 = scf.for %scan3A_242 = %scan3A_143 to %scan3A_145 step %scan3A_146 iter_args(%scan3A_243 = %scan3A_142) -> (i32)  : i32 {
      %mul3A_244 = arith.constant 2 : i32
      %mul3A_245 = arith.muli %mul3A_244, %scan3A_242 : i32
      %add3A_246 = arith.constant 0 : i32
      %add3A_247 = arith.addi %mul3A_245, %add3A_246 : i32
      %mul3A_248 = arith.constant 40 : i32
      %mul3A_249 = arith.muli %add3A_247, %mul3A_248 : i32
      %add3A_250 = arith.addi %mul3A_130, %mul3A_249 : i32
      %dma_wait3A_251 = arith.constant 0 : i32
      %dma_wait3A_252 = tpu.memref_slice %arg2[%add3A_250, %dma_wait3A_251] : memref<40960x640xf32, #tpu.memory_space<hbm>> -> memref<40x640xf32, #tpu.memory_space<hbm>>
      %dma_wait3A_253 = arith.constant 0 : i32
      %dma_wait3A_254 = tpu.memref_slice %arg2[%add3A_250, %dma_wait3A_253] : memref<40960x640xf32, #tpu.memory_space<hbm>> -> memref<40x640xf32, #tpu.memory_space<hbm>>
      tpu.wait_dma2 semaphore(%arg12 : memref<!tpu.dma_semaphore, #tpu.memory_space<semaphore_mem>>) src(%dma_wait3A_254 : memref<40x640xf32, #tpu.memory_space<hbm>>) dst(%arg5 : memref<40x640xf32, #tpu.memory_space<vmem>>)
      %gt3A = arith.constant 0 : i32
      %gt3A_255 = arith.cmpi sgt, %scan3A_242, %gt3A : i32
      %convert_element_type3A = arith.extui %gt3A_255 : i1 to i32
      %cond3A = arith.constant 0 : i32
      %cond3A_256 = arith.cmpi ne, %convert_element_type3A, %cond3A : i32
      scf.if %cond3A_256 {
        %mul3A_471 = arith.constant 2 : i32
        %mul3A_472 = arith.muli %mul3A_471, %add3A : i32
        %jit3A_473 = arith.constant 16 : i32
        %div3A_474 = arith.divsi %add3A_247, %jit3A_473 : i32
        %sign3A_475 = arith.constant 0 : i32
        %sign3A_476 = arith.cmpi sgt, %add3A_247, %sign3A_475 : i32
        %sign3A_477 = arith.extui %sign3A_476 : i1 to i32
        %sign3A_478 = arith.constant 0 : i32
        %sign3A_479 = arith.cmpi slt, %add3A_247, %sign3A_478 : i32
        %sign3A_480 = arith.extui %sign3A_479 : i1 to i32
        %sign3A_481 = arith.subi %sign3A_477, %sign3A_480 : i32
        %sign3A_482 = arith.constant 0 : i32
        %sign3A_483 = arith.cmpi sgt, %jit3A_473, %sign3A_482 : i32
        %sign3A_484 = arith.extui %sign3A_483 : i1 to i32
        %sign3A_485 = arith.constant 0 : i32
        %sign3A_486 = arith.cmpi slt, %jit3A_473, %sign3A_485 : i32
        %sign3A_487 = arith.extui %sign3A_486 : i1 to i32
        %sign3A_488 = arith.subi %sign3A_484, %sign3A_487 : i32
        %ne3A_489 = arith.cmpi ne, %sign3A_481, %sign3A_488 : i32
        %rem3A_490 = arith.remsi %add3A_247, %jit3A_473 : i32
        %ne3A_491 = arith.constant 0 : i32
        %ne3A_492 = arith.cmpi ne, %rem3A_490, %ne3A_491 : i32
        %and3A_493 = arith.andi %ne3A_489, %ne3A_492 : i1
        %sub3A_494 = arith.constant 1 : i32
        %sub3A_495 = arith.subi %div3A_474, %sub3A_494 : i32
        %select_n3A_496 = arith.select %and3A_493, %sub3A_495, %div3A_474 : i32
        %add3A_497 = arith.addi %mul3A_472, %select_n3A_496 : i32
        %jit3A_498 = arith.constant 16 : i32
        %eq3A_499 = arith.constant 0 : i32
        %eq3A_500 = arith.cmpi eq, %jit3A_498, %eq3A_499 : i32
        %jit3A_501 = arith.constant 1 : i32
        %select_n3A_502 = arith.select %eq3A_500, %jit3A_501, %jit3A_498 : i32
        %rem3A_503 = arith.remsi %add3A_247, %select_n3A_502 : i32
        %ne3A_504 = arith.constant 0 : i32
        %ne3A_505 = arith.cmpi ne, %rem3A_503, %ne3A_504 : i32
        %lt3A_506 = arith.constant 0 : i32
        %lt3A_507 = arith.cmpi slt, %rem3A_503, %lt3A_506 : i32
        %lt3A_508 = arith.constant 0 : i32
        %lt3A_509 = arith.cmpi slt, %select_n3A_502, %lt3A_508 : i32
        %ne3A_510 = arith.xori %lt3A_507, %lt3A_509 : i1
        %and3A_511 = arith.andi %ne3A_510, %ne3A_505 : i1
        %add3A_512 = arith.addi %rem3A_503, %select_n3A_502 : i32
        %select_n3A_513 = arith.select %and3A_511, %add3A_512, %rem3A_503 : i32
        %mul3A_514 = arith.constant 40 : i32
        %mul3A_515 = arith.muli %select_n3A_513, %mul3A_514 : i32
        %jit3A_516 = arith.constant 16 : i32
        %div3A_517 = arith.divsi %add3A_497, %jit3A_516 : i32
        %sign3A_518 = arith.constant 0 : i32
        %sign3A_519 = arith.cmpi sgt, %add3A_497, %sign3A_518 : i32
        %sign3A_520 = arith.extui %sign3A_519 : i1 to i32
        %sign3A_521 = arith.constant 0 : i32
        %sign3A_522 = arith.cmpi slt, %add3A_497, %sign3A_521 : i32
        %sign3A_523 = arith.extui %sign3A_522 : i1 to i32
        %sign3A_524 = arith.subi %sign3A_520, %sign3A_523 : i32
        %sign3A_525 = arith.constant 0 : i32
        %sign3A_526 = arith.cmpi sgt, %jit3A_516, %sign3A_525 : i32
        %sign3A_527 = arith.extui %sign3A_526 : i1 to i32
        %sign3A_528 = arith.constant 0 : i32
        %sign3A_529 = arith.cmpi slt, %jit3A_516, %sign3A_528 : i32
        %sign3A_530 = arith.extui %sign3A_529 : i1 to i32
        %sign3A_531 = arith.subi %sign3A_527, %sign3A_530 : i32
        %ne3A_532 = arith.cmpi ne, %sign3A_524, %sign3A_531 : i32
        %rem3A_533 = arith.remsi %add3A_497, %jit3A_516 : i32
        %ne3A_534 = arith.constant 0 : i32
        %ne3A_535 = arith.cmpi ne, %rem3A_533, %ne3A_534 : i32
        %and3A_536 = arith.andi %ne3A_532, %ne3A_535 : i1
        %sub3A_537 = arith.constant 1 : i32
        %sub3A_538 = arith.subi %div3A_517, %sub3A_537 : i32
        %select_n3A_539 = arith.select %and3A_536, %sub3A_538, %div3A_517 : i32
        %jit3A_540 = arith.constant 16 : i32
        %eq3A_541 = arith.constant 0 : i32
        %eq3A_542 = arith.cmpi eq, %jit3A_540, %eq3A_541 : i32
        %jit3A_543 = arith.constant 1 : i32
        %select_n3A_544 = arith.select %eq3A_542, %jit3A_543, %jit3A_540 : i32
        %rem3A_545 = arith.remsi %add3A_497, %select_n3A_544 : i32
        %ne3A_546 = arith.constant 0 : i32
        %ne3A_547 = arith.cmpi ne, %rem3A_545, %ne3A_546 : i32
        %lt3A_548 = arith.constant 0 : i32
        %lt3A_549 = arith.cmpi slt, %rem3A_545, %lt3A_548 : i32
        %lt3A_550 = arith.constant 0 : i32
        %lt3A_551 = arith.cmpi slt, %select_n3A_544, %lt3A_550 : i32
        %ne3A_552 = arith.xori %lt3A_549, %lt3A_551 : i1
        %and3A_553 = arith.andi %ne3A_552, %ne3A_547 : i1
        %add3A_554 = arith.addi %rem3A_545, %select_n3A_544 : i32
        %select_n3A_555 = arith.select %and3A_553, %add3A_554, %rem3A_545 : i32
        %dma_wait3A_556 = arith.constant 0 : i32
        %dma_wait3A_557 = tpu.memref_slice %arg4[%select_n3A_539, %select_n3A_555, %mul3A_515, %dma_wait3A_556] : memref<4x16x640x320xf32, #tpu.memory_space<hbm>> -> memref<1x1x40x320xf32, #tpu.memory_space<hbm>>
        %dma_wait3A_558 = tpu.memref_squeeze %dma_wait3A_557 : memref<1x1x40x320xf32, #tpu.memory_space<hbm>> -> memref<40x320xf32, #tpu.memory_space<hbm>>
        %dma_wait3A_559 = arith.constant 0 : i32
        %dma_wait3A_560 = tpu.memref_slice %arg4[%select_n3A_539, %select_n3A_555, %mul3A_515, %dma_wait3A_559] : memref<4x16x640x320xf32, #tpu.memory_space<hbm>> -> memref<1x1x40x320xf32, #tpu.memory_space<hbm>>
        %dma_wait3A_561 = tpu.memref_squeeze %dma_wait3A_560 : memref<1x1x40x320xf32, #tpu.memory_space<hbm>> -> memref<40x320xf32, #tpu.memory_space<hbm>>
        tpu.wait_dma2 semaphore(%arg14 : memref<!tpu.dma_semaphore, #tpu.memory_space<semaphore_mem>>) src(%arg7 : memref<40x320xf32, #tpu.memory_space<vmem>>) dst(%dma_wait3A_561 : memref<40x320xf32, #tpu.memory_space<hbm>>)
      } else {
      }
      %parallel_loop3A = arith.constant 0 : i32
      %parallel_loop3A_257 = arith.constant 40 : i32
      %parallel_loop3A_258 = arith.constant 1 : i32
      scf.for %parallel_loop3A_471 = %parallel_loop3A to %parallel_loop3A_257 step %parallel_loop3A_258  : i32 {
        %parallel_loop3A_472 = arith.constant 0 : i32
        %parallel_loop3A_473 = vector.broadcast %parallel_loop3A_472 : i32 to vector<16xi32>
        %parallel_loop3A_474 = vector.broadcast %parallel_loop3A_471 : i32 to vector<16xi32>
        %parallel_loop3A_475 = arith.addi %parallel_loop3A_473, %parallel_loop3A_474 : vector<16xi32>
        %parallel_loop3A_476 = tpu.vector_load_idx %arg5[%parallel_loop3A_475, %get3A_90] : memref<40x640xf32, #tpu.memory_space<vmem>>[vector<16xi32>, vector<16xi32>], vector<16xf32>,
        %parallel_loop3A_477 = arith.index_cast %parallel_loop3A_471 : i32 to index
        %parallel_loop3A_478 = arith.constant 0 : index
        %parallel_loop3A_479 = tpu.vector_load %arg7[%parallel_loop3A_477, %parallel_loop3A_478] {strides = array<i32>} : memref<40x320xf32, #tpu.memory_space<vmem>>, vector<16xf32>,
        tpu.vector_store %arg7[%parallel_loop3A_477, %parallel_loop3A_478], %parallel_loop3A_476 {strides = array<i32>} : memref<40x320xf32, #tpu.memory_space<vmem>>, vector<16xf32>,
        %parallel_loop3A_480 = tpu.vector_load_idx %arg5[%parallel_loop3A_475, %get3A_92] : memref<40x640xf32, #tpu.memory_space<vmem>>[vector<16xi32>, vector<16xi32>], vector<16xf32>,
        %parallel_loop3A_481 = arith.index_cast %parallel_loop3A_471 : i32 to index
        %parallel_loop3A_482 = arith.constant 16 : index
        %parallel_loop3A_483 = tpu.vector_load %arg7[%parallel_loop3A_481, %parallel_loop3A_482] {strides = array<i32>} : memref<40x320xf32, #tpu.memory_space<vmem>>, vector<16xf32>,
        tpu.vector_store %arg7[%parallel_loop3A_481, %parallel_loop3A_482], %parallel_loop3A_480 {strides = array<i32>} : memref<40x320xf32, #tpu.memory_space<vmem>>, vector<16xf32>,
        %parallel_loop3A_484 = tpu.vector_load_idx %arg5[%parallel_loop3A_475, %get3A_94] : memref<40x640xf32, #tpu.memory_space<vmem>>[vector<16xi32>, vector<16xi32>], vector<16xf32>,
        %parallel_loop3A_485 = arith.index_cast %parallel_loop3A_471 : i32 to index
        %parallel_loop3A_486 = arith.constant 32 : index
        %parallel_loop3A_487 = tpu.vector_load %arg7[%parallel_loop3A_485, %parallel_loop3A_486] {strides = array<i32>} : memref<40x320xf32, #tpu.memory_space<vmem>>, vector<16xf32>,
        tpu.vector_store %arg7[%parallel_loop3A_485, %parallel_loop3A_486], %parallel_loop3A_484 {strides = array<i32>} : memref<40x320xf32, #tpu.memory_space<vmem>>, vector<16xf32>,
        %parallel_loop3A_488 = tpu.vector_load_idx %arg5[%parallel_loop3A_475, %get3A_96] : memref<40x640xf32, #tpu.memory_space<vmem>>[vector<16xi32>, vector<16xi32>], vector<16xf32>,
        %parallel_loop3A_489 = arith.index_cast %parallel_loop3A_471 : i32 to index
        %parallel_loop3A_490 = arith.constant 48 : index
        %parallel_loop3A_491 = tpu.vector_load %arg7[%parallel_loop3A_489, %parallel_loop3A_490] {strides = array<i32>} : memref<40x320xf32, #tpu.memory_space<vmem>>, vector<16xf32>,
        tpu.vector_store %arg7[%parallel_loop3A_489, %parallel_loop3A_490], %parallel_loop3A_488 {strides = array<i32>} : memref<40x320xf32, #tpu.memory_space<vmem>>, vector<16xf32>,
        %parallel_loop3A_492 = tpu.vector_load_idx %arg5[%parallel_loop3A_475, %get3A_98] : memref<40x640xf32, #tpu.memory_space<vmem>>[vector<16xi32>, vector<16xi32>], vector<16xf32>,
        %parallel_loop3A_493 = arith.index_cast %parallel_loop3A_471 : i32 to index
        %parallel_loop3A_494 = arith.constant 64 : index
        %parallel_loop3A_495 = tpu.vector_load %arg7[%parallel_loop3A_493, %parallel_loop3A_494] {strides = array<i32>} : memref<40x320xf32, #tpu.memory_space<vmem>>, vector<16xf32>,
        tpu.vector_store %arg7[%parallel_loop3A_493, %parallel_loop3A_494], %parallel_loop3A_492 {strides = array<i32>} : memref<40x320xf32, #tpu.memory_space<vmem>>, vector<16xf32>,
        %parallel_loop3A_496 = tpu.vector_load_idx %arg5[%parallel_loop3A_475, %get3A_100] : memref<40x640xf32, #tpu.memory_space<vmem>>[vector<16xi32>, vector<16xi32>], vector<16xf32>,
        %parallel_loop3A_497 = arith.index_cast %parallel_loop3A_471 : i32 to index
        %parallel_loop3A_498 = arith.constant 80 : index
        %parallel_loop3A_499 = tpu.vector_load %arg7[%parallel_loop3A_497, %parallel_loop3A_498] {strides = array<i32>} : memref<40x320xf32, #tpu.memory_space<vmem>>, vector<16xf32>,
        tpu.vector_store %arg7[%parallel_loop3A_497, %parallel_loop3A_498], %parallel_loop3A_496 {strides = array<i32>} : memref<40x320xf32, #tpu.memory_space<vmem>>, vector<16xf32>,
        %parallel_loop3A_500 = tpu.vector_load_idx %arg5[%parallel_loop3A_475, %get3A_102] : memref<40x640xf32, #tpu.memory_space<vmem>>[vector<16xi32>, vector<16xi32>], vector<16xf32>,
        %parallel_loop3A_501 = arith.index_cast %parallel_loop3A_471 : i32 to index
        %parallel_loop3A_502 = arith.constant 96 : index
        %parallel_loop3A_503 = tpu.vector_load %arg7[%parallel_loop3A_501, %parallel_loop3A_502] {strides = array<i32>} : memref<40x320xf32, #tpu.memory_space<vmem>>, vector<16xf32>,
        tpu.vector_store %arg7[%parallel_loop3A_501, %parallel_loop3A_502], %parallel_loop3A_500 {strides = array<i32>} : memref<40x320xf32, #tpu.memory_space<vmem>>, vector<16xf32>,
        %parallel_loop3A_504 = tpu.vector_load_idx %arg5[%parallel_loop3A_475, %get3A_104] : memref<40x640xf32, #tpu.memory_space<vmem>>[vector<16xi32>, vector<16xi32>], vector<16xf32>,
        %parallel_loop3A_505 = arith.index_cast %parallel_loop3A_471 : i32 to index
        %parallel_loop3A_506 = arith.constant 112 : index
        %parallel_loop3A_507 = tpu.vector_load %arg7[%parallel_loop3A_505, %parallel_loop3A_506] {strides = array<i32>} : memref<40x320xf32, #tpu.memory_space<vmem>>, vector<16xf32>,
        tpu.vector_store %arg7[%parallel_loop3A_505, %parallel_loop3A_506], %parallel_loop3A_504 {strides = array<i32>} : memref<40x320xf32, #tpu.memory_space<vmem>>, vector<16xf32>,
        %parallel_loop3A_508 = tpu.vector_load_idx %arg5[%parallel_loop3A_475, %get3A_106] : memref<40x640xf32, #tpu.memory_space<vmem>>[vector<16xi32>, vector<16xi32>], vector<16xf32>,
        %parallel_loop3A_509 = arith.index_cast %parallel_loop3A_471 : i32 to index
        %parallel_loop3A_510 = arith.constant 128 : index
        %parallel_loop3A_511 = tpu.vector_load %arg7[%parallel_loop3A_509, %parallel_loop3A_510] {strides = array<i32>} : memref<40x320xf32, #tpu.memory_space<vmem>>, vector<16xf32>,
        tpu.vector_store %arg7[%parallel_loop3A_509, %parallel_loop3A_510], %parallel_loop3A_508 {strides = array<i32>} : memref<40x320xf32, #tpu.memory_space<vmem>>, vector<16xf32>,
        %parallel_loop3A_512 = tpu.vector_load_idx %arg5[%parallel_loop3A_475, %get3A_108] : memref<40x640xf32, #tpu.memory_space<vmem>>[vector<16xi32>, vector<16xi32>], vector<16xf32>,
        %parallel_loop3A_513 = arith.index_cast %parallel_loop3A_471 : i32 to index
        %parallel_loop3A_514 = arith.constant 144 : index
        %parallel_loop3A_515 = tpu.vector_load %arg7[%parallel_loop3A_513, %parallel_loop3A_514] {strides = array<i32>} : memref<40x320xf32, #tpu.memory_space<vmem>>, vector<16xf32>,
        tpu.vector_store %arg7[%parallel_loop3A_513, %parallel_loop3A_514], %parallel_loop3A_512 {strides = array<i32>} : memref<40x320xf32, #tpu.memory_space<vmem>>, vector<16xf32>,
        %parallel_loop3A_516 = tpu.vector_load_idx %arg5[%parallel_loop3A_475, %get3A_110] : memref<40x640xf32, #tpu.memory_space<vmem>>[vector<16xi32>, vector<16xi32>], vector<16xf32>,
        %parallel_loop3A_517 = arith.index_cast %parallel_loop3A_471 : i32 to index
        %parallel_loop3A_518 = arith.constant 160 : index
        %parallel_loop3A_519 = tpu.vector_load %arg7[%parallel_loop3A_517, %parallel_loop3A_518] {strides = array<i32>} : memref<40x320xf32, #tpu.memory_space<vmem>>, vector<16xf32>,
        tpu.vector_store %arg7[%parallel_loop3A_517, %parallel_loop3A_518], %parallel_loop3A_516 {strides = array<i32>} : memref<40x320xf32, #tpu.memory_space<vmem>>, vector<16xf32>,
        %parallel_loop3A_520 = tpu.vector_load_idx %arg5[%parallel_loop3A_475, %get3A_112] : memref<40x640xf32, #tpu.memory_space<vmem>>[vector<16xi32>, vector<16xi32>], vector<16xf32>,
        %parallel_loop3A_521 = arith.index_cast %parallel_loop3A_471 : i32 to index
        %parallel_loop3A_522 = arith.constant 176 : index
        %parallel_loop3A_523 = tpu.vector_load %arg7[%parallel_loop3A_521, %parallel_loop3A_522] {strides = array<i32>} : memref<40x320xf32, #tpu.memory_space<vmem>>, vector<16xf32>,
        tpu.vector_store %arg7[%parallel_loop3A_521, %parallel_loop3A_522], %parallel_loop3A_520 {strides = array<i32>} : memref<40x320xf32, #tpu.memory_space<vmem>>, vector<16xf32>,
        %parallel_loop3A_524 = tpu.vector_load_idx %arg5[%parallel_loop3A_475, %get3A_114] : memref<40x640xf32, #tpu.memory_space<vmem>>[vector<16xi32>, vector<16xi32>], vector<16xf32>,
        %parallel_loop3A_525 = arith.index_cast %parallel_loop3A_471 : i32 to index
        %parallel_loop3A_526 = arith.constant 192 : index
        %parallel_loop3A_527 = tpu.vector_load %arg7[%parallel_loop3A_525, %parallel_loop3A_526] {strides = array<i32>} : memref<40x320xf32, #tpu.memory_space<vmem>>, vector<16xf32>,
        tpu.vector_store %arg7[%parallel_loop3A_525, %parallel_loop3A_526], %parallel_loop3A_524 {strides = array<i32>} : memref<40x320xf32, #tpu.memory_space<vmem>>, vector<16xf32>,
        %parallel_loop3A_528 = tpu.vector_load_idx %arg5[%parallel_loop3A_475, %get3A_116] : memref<40x640xf32, #tpu.memory_space<vmem>>[vector<16xi32>, vector<16xi32>], vector<16xf32>,
        %parallel_loop3A_529 = arith.index_cast %parallel_loop3A_471 : i32 to index
        %parallel_loop3A_530 = arith.constant 208 : index
        %parallel_loop3A_531 = tpu.vector_load %arg7[%parallel_loop3A_529, %parallel_loop3A_530] {strides = array<i32>} : memref<40x320xf32, #tpu.memory_space<vmem>>, vector<16xf32>,
        tpu.vector_store %arg7[%parallel_loop3A_529, %parallel_loop3A_530], %parallel_loop3A_528 {strides = array<i32>} : memref<40x320xf32, #tpu.memory_space<vmem>>, vector<16xf32>,
        %parallel_loop3A_532 = tpu.vector_load_idx %arg5[%parallel_loop3A_475, %get3A_118] : memref<40x640xf32, #tpu.memory_space<vmem>>[vector<16xi32>, vector<16xi32>], vector<16xf32>,
        %parallel_loop3A_533 = arith.index_cast %parallel_loop3A_471 : i32 to index
        %parallel_loop3A_534 = arith.constant 224 : index
        %parallel_loop3A_535 = tpu.vector_load %arg7[%parallel_loop3A_533, %parallel_loop3A_534] {strides = array<i32>} : memref<40x320xf32, #tpu.memory_space<vmem>>, vector<16xf32>,
        tpu.vector_store %arg7[%parallel_loop3A_533, %parallel_loop3A_534], %parallel_loop3A_532 {strides = array<i32>} : memref<40x320xf32, #tpu.memory_space<vmem>>, vector<16xf32>,
        %parallel_loop3A_536 = tpu.vector_load_idx %arg5[%parallel_loop3A_475, %get3A_120] : memref<40x640xf32, #tpu.memory_space<vmem>>[vector<16xi32>, vector<16xi32>], vector<16xf32>,
        %parallel_loop3A_537 = arith.index_cast %parallel_loop3A_471 : i32 to index
        %parallel_loop3A_538 = arith.constant 240 : index
        %parallel_loop3A_539 = tpu.vector_load %arg7[%parallel_loop3A_537, %parallel_loop3A_538] {strides = array<i32>} : memref<40x320xf32, #tpu.memory_space<vmem>>, vector<16xf32>,
        tpu.vector_store %arg7[%parallel_loop3A_537, %parallel_loop3A_538], %parallel_loop3A_536 {strides = array<i32>} : memref<40x320xf32, #tpu.memory_space<vmem>>, vector<16xf32>,
        %parallel_loop3A_540 = tpu.vector_load_idx %arg5[%parallel_loop3A_475, %get3A_122] : memref<40x640xf32, #tpu.memory_space<vmem>>[vector<16xi32>, vector<16xi32>], vector<16xf32>,
        %parallel_loop3A_541 = arith.index_cast %parallel_loop3A_471 : i32 to index
        %parallel_loop3A_542 = arith.constant 256 : index
        %parallel_loop3A_543 = tpu.vector_load %arg7[%parallel_loop3A_541, %parallel_loop3A_542] {strides = array<i32>} : memref<40x320xf32, #tpu.memory_space<vmem>>, vector<16xf32>,
        tpu.vector_store %arg7[%parallel_loop3A_541, %parallel_loop3A_542], %parallel_loop3A_540 {strides = array<i32>} : memref<40x320xf32, #tpu.memory_space<vmem>>, vector<16xf32>,
        %parallel_loop3A_544 = tpu.vector_load_idx %arg5[%parallel_loop3A_475, %get3A_124] : memref<40x640xf32, #tpu.memory_space<vmem>>[vector<16xi32>, vector<16xi32>], vector<16xf32>,
        %parallel_loop3A_545 = arith.index_cast %parallel_loop3A_471 : i32 to index
        %parallel_loop3A_546 = arith.constant 272 : index
        %parallel_loop3A_547 = tpu.vector_load %arg7[%parallel_loop3A_545, %parallel_loop3A_546] {strides = array<i32>} : memref<40x320xf32, #tpu.memory_space<vmem>>, vector<16xf32>,
        tpu.vector_store %arg7[%parallel_loop3A_545, %parallel_loop3A_546], %parallel_loop3A_544 {strides = array<i32>} : memref<40x320xf32, #tpu.memory_space<vmem>>, vector<16xf32>,
        %parallel_loop3A_548 = tpu.vector_load_idx %arg5[%parallel_loop3A_475, %get3A_126] : memref<40x640xf32, #tpu.memory_space<vmem>>[vector<16xi32>, vector<16xi32>], vector<16xf32>,
        %parallel_loop3A_549 = arith.index_cast %parallel_loop3A_471 : i32 to index
        %parallel_loop3A_550 = arith.constant 288 : index
        %parallel_loop3A_551 = tpu.vector_load %arg7[%parallel_loop3A_549, %parallel_loop3A_550] {strides = array<i32>} : memref<40x320xf32, #tpu.memory_space<vmem>>, vector<16xf32>,
        tpu.vector_store %arg7[%parallel_loop3A_549, %parallel_loop3A_550], %parallel_loop3A_548 {strides = array<i32>} : memref<40x320xf32, #tpu.memory_space<vmem>>, vector<16xf32>,
        %parallel_loop3A_552 = tpu.vector_load_idx %arg5[%parallel_loop3A_475, %get3A_128] : memref<40x640xf32, #tpu.memory_space<vmem>>[vector<16xi32>, vector<16xi32>], vector<16xf32>,
        %parallel_loop3A_553 = arith.index_cast %parallel_loop3A_471 : i32 to index
        %parallel_loop3A_554 = arith.constant 304 : index
        %parallel_loop3A_555 = tpu.vector_load %arg7[%parallel_loop3A_553, %parallel_loop3A_554] {strides = array<i32>} : memref<40x320xf32, #tpu.memory_space<vmem>>, vector<16xf32>,
        tpu.vector_store %arg7[%parallel_loop3A_553, %parallel_loop3A_554], %parallel_loop3A_552 {strides = array<i32>} : memref<40x320xf32, #tpu.memory_space<vmem>>, vector<16xf32>,
      } {sc.loop_unroll_factor = 1 : i64, sc.parallel_access}
      %mul3A_259 = arith.constant 2 : i32
      %mul3A_260 = arith.muli %mul3A_259, %add3A : i32
      %jit3A_261 = arith.constant 16 : i32
      %div3A_262 = arith.divsi %add3A_247, %jit3A_261 : i32
      %sign3A_263 = arith.constant 0 : i32
      %sign3A_264 = arith.cmpi sgt, %add3A_247, %sign3A_263 : i32
      %sign3A_265 = arith.extui %sign3A_264 : i1 to i32
      %sign3A_266 = arith.constant 0 : i32
      %sign3A_267 = arith.cmpi slt, %add3A_247, %sign3A_266 : i32
      %sign3A_268 = arith.extui %sign3A_267 : i1 to i32
      %sign3A_269 = arith.subi %sign3A_265, %sign3A_268 : i32
      %sign3A_270 = arith.constant 0 : i32
      %sign3A_271 = arith.cmpi sgt, %jit3A_261, %sign3A_270 : i32
      %sign3A_272 = arith.extui %sign3A_271 : i1 to i32
      %sign3A_273 = arith.constant 0 : i32
      %sign3A_274 = arith.cmpi slt, %jit3A_261, %sign3A_273 : i32
      %sign3A_275 = arith.extui %sign3A_274 : i1 to i32
      %sign3A_276 = arith.subi %sign3A_272, %sign3A_275 : i32
      %ne3A_277 = arith.cmpi ne, %sign3A_269, %sign3A_276 : i32
      %rem3A_278 = arith.remsi %add3A_247, %jit3A_261 : i32
      %ne3A_279 = arith.constant 0 : i32
      %ne3A_280 = arith.cmpi ne, %rem3A_278, %ne3A_279 : i32
      %and3A_281 = arith.andi %ne3A_277, %ne3A_280 : i1
      %sub3A_282 = arith.constant 1 : i32
      %sub3A_283 = arith.subi %div3A_262, %sub3A_282 : i32
      %select_n3A_284 = arith.select %and3A_281, %sub3A_283, %div3A_262 : i32
      %add3A_285 = arith.addi %mul3A_260, %select_n3A_284 : i32
      %jit3A_286 = arith.constant 16 : i32
      %eq3A_287 = arith.constant 0 : i32
      %eq3A_288 = arith.cmpi eq, %jit3A_286, %eq3A_287 : i32
      %jit3A_289 = arith.constant 1 : i32
      %select_n3A_290 = arith.select %eq3A_288, %jit3A_289, %jit3A_286 : i32
      %rem3A_291 = arith.remsi %add3A_247, %select_n3A_290 : i32
      %ne3A_292 = arith.constant 0 : i32
      %ne3A_293 = arith.cmpi ne, %rem3A_291, %ne3A_292 : i32
      %lt3A_294 = arith.constant 0 : i32
      %lt3A_295 = arith.cmpi slt, %rem3A_291, %lt3A_294 : i32
      %lt3A_296 = arith.constant 0 : i32
      %lt3A_297 = arith.cmpi slt, %select_n3A_290, %lt3A_296 : i32
      %ne3A_298 = arith.xori %lt3A_295, %lt3A_297 : i1
      %and3A_299 = arith.andi %ne3A_298, %ne3A_293 : i1
      %add3A_300 = arith.addi %rem3A_291, %select_n3A_290 : i32
      %select_n3A_301 = arith.select %and3A_299, %add3A_300, %rem3A_291 : i32
      %mul3A_302 = arith.constant 40 : i32
      %mul3A_303 = arith.muli %select_n3A_301, %mul3A_302 : i32
      %jit3A_304 = arith.constant 16 : i32
      %div3A_305 = arith.divsi %add3A_285, %jit3A_304 : i32
      %sign3A_306 = arith.constant 0 : i32
      %sign3A_307 = arith.cmpi sgt, %add3A_285, %sign3A_306 : i32
      %sign3A_308 = arith.extui %sign3A_307 : i1 to i32
      %sign3A_309 = arith.constant 0 : i32
      %sign3A_310 = arith.cmpi slt, %add3A_285, %sign3A_309 : i32
      %sign3A_311 = arith.extui %sign3A_310 : i1 to i32
      %sign3A_312 = arith.subi %sign3A_308, %sign3A_311 : i32
      %sign3A_313 = arith.constant 0 : i32
      %sign3A_314 = arith.cmpi sgt, %jit3A_304, %sign3A_313 : i32
      %sign3A_315 = arith.extui %sign3A_314 : i1 to i32
      %sign3A_316 = arith.constant 0 : i32
      %sign3A_317 = arith.cmpi slt, %jit3A_304, %sign3A_316 : i32
      %sign3A_318 = arith.extui %sign3A_317 : i1 to i32
      %sign3A_319 = arith.subi %sign3A_315, %sign3A_318 : i32
      %ne3A_320 = arith.cmpi ne, %sign3A_312, %sign3A_319 : i32
      %rem3A_321 = arith.remsi %add3A_285, %jit3A_304 : i32
      %ne3A_322 = arith.constant 0 : i32
      %ne3A_323 = arith.cmpi ne, %rem3A_321, %ne3A_322 : i32
      %and3A_324 = arith.andi %ne3A_320, %ne3A_323 : i1
      %sub3A_325 = arith.constant 1 : i32
      %sub3A_326 = arith.subi %div3A_305, %sub3A_325 : i32
      %select_n3A_327 = arith.select %and3A_324, %sub3A_326, %div3A_305 : i32
      %jit3A_328 = arith.constant 16 : i32
      %eq3A_329 = arith.constant 0 : i32
      %eq3A_330 = arith.cmpi eq, %jit3A_328, %eq3A_329 : i32
      %jit3A_331 = arith.constant 1 : i32
      %select_n3A_332 = arith.select %eq3A_330, %jit3A_331, %jit3A_328 : i32
      %rem3A_333 = arith.remsi %add3A_285, %select_n3A_332 : i32
      %ne3A_334 = arith.constant 0 : i32
      %ne3A_335 = arith.cmpi ne, %rem3A_333, %ne3A_334 : i32
      %lt3A_336 = arith.constant 0 : i32
      %lt3A_337 = arith.cmpi slt, %rem3A_333, %lt3A_336 : i32
      %lt3A_338 = arith.constant 0 : i32
      %lt3A_339 = arith.cmpi slt, %select_n3A_332, %lt3A_338 : i32
      %ne3A_340 = arith.xori %lt3A_337, %lt3A_339 : i1
      %and3A_341 = arith.andi %ne3A_340, %ne3A_335 : i1
      %add3A_342 = arith.addi %rem3A_333, %select_n3A_332 : i32
      %select_n3A_343 = arith.select %and3A_341, %add3A_342, %rem3A_333 : i32
      %dma_start3A_344 = arith.constant 0 : i32
      %dma_start3A_345 = tpu.memref_slice %arg4[%select_n3A_327, %select_n3A_343, %mul3A_303, %dma_start3A_344] : memref<4x16x640x320xf32, #tpu.memory_space<hbm>> -> memref<1x1x40x320xf32, #tpu.memory_space<hbm>>
      %dma_start3A_346 = tpu.memref_squeeze %dma_start3A_345 : memref<1x1x40x320xf32, #tpu.memory_space<hbm>> -> memref<40x320xf32, #tpu.memory_space<hbm>>
      %dma_start3A_347 = arith.constant 0 : i32
      %dma_start3A_348 = tpu.memref_slice %arg4[%select_n3A_327, %select_n3A_343, %mul3A_303, %dma_start3A_347] : memref<4x16x640x320xf32, #tpu.memory_space<hbm>> -> memref<1x1x40x320xf32, #tpu.memory_space<hbm>>
      %dma_start3A_349 = tpu.memref_squeeze %dma_start3A_348 : memref<1x1x40x320xf32, #tpu.memory_space<hbm>> -> memref<40x320xf32, #tpu.memory_space<hbm>>
      tpu.enqueue_dma source(%arg7 : memref<40x320xf32, #tpu.memory_space<vmem>>) target(%dma_start3A_349 : memref<40x320xf32, #tpu.memory_space<hbm>>) target_semaphore(%arg14 : memref<!tpu.dma_semaphore, #tpu.memory_space<semaphore_mem>>)
      %lt3A_350 = arith.constant 15 : i32
      %lt3A_351 = arith.cmpi slt, %scan3A_242, %lt3A_350 : i32
      %convert_element_type3A_352 = arith.extui %lt3A_351 : i1 to i32
      %cond3A_353 = arith.constant 0 : i32
      %cond3A_354 = arith.cmpi ne, %convert_element_type3A_352, %cond3A_353 : i32
      scf.if %cond3A_354 {
        %add3A_471 = arith.constant 2 : i32
        %add3A_472 = arith.addi %add3A_247, %add3A_471 : i32
        %mul3A_473 = arith.constant 40 : i32
        %mul3A_474 = arith.muli %add3A_472, %mul3A_473 : i32
        %add3A_475 = arith.addi %mul3A_130, %mul3A_474 : i32
        %dma_start3A_476 = arith.constant 0 : i32
        %dma_start3A_477 = tpu.memref_slice %arg2[%add3A_475, %dma_start3A_476] : memref<40960x640xf32, #tpu.memory_space<hbm>> -> memref<40x640xf32, #tpu.memory_space<hbm>>
        %dma_start3A_478 = arith.constant 0 : i32
        %dma_start3A_479 = tpu.memref_slice %arg2[%add3A_475, %dma_start3A_478] : memref<40960x640xf32, #tpu.memory_space<hbm>> -> memref<40x640xf32, #tpu.memory_space<hbm>>
        tpu.enqueue_dma source(%dma_start3A_479 : memref<40x640xf32, #tpu.memory_space<hbm>>) target(%arg5 : memref<40x640xf32, #tpu.memory_space<vmem>>) target_semaphore(%arg12 : memref<!tpu.dma_semaphore, #tpu.memory_space<semaphore_mem>>)
      } else {
      }
      %mul3A_355 = arith.constant 2 : i32
      %mul3A_356 = arith.muli %mul3A_355, %scan3A_242 : i32
      %add3A_357 = arith.constant 1 : i32
      %add3A_358 = arith.addi %mul3A_356, %add3A_357 : i32
      %mul3A_359 = arith.constant 40 : i32
      %mul3A_360 = arith.muli %add3A_358, %mul3A_359 : i32
      %add3A_361 = arith.addi %mul3A_130, %mul3A_360 : i32
      %dma_wait3A_362 = arith.constant 0 : i32
      %dma_wait3A_363 = tpu.memref_slice %arg2[%add3A_361, %dma_wait3A_362] : memref<40960x640xf32, #tpu.memory_space<hbm>> -> memref<40x640xf32, #tpu.memory_space<hbm>>
      %dma_wait3A_364 = arith.constant 0 : i32
      %dma_wait3A_365 = tpu.memref_slice %arg2[%add3A_361, %dma_wait3A_364] : memref<40960x640xf32, #tpu.memory_space<hbm>> -> memref<40x640xf32, #tpu.memory_space<hbm>>
      tpu.wait_dma2 semaphore(%arg13 : memref<!tpu.dma_semaphore, #tpu.memory_space<semaphore_mem>>) src(%dma_wait3A_365 : memref<40x640xf32, #tpu.memory_space<hbm>>) dst(%arg6 : memref<40x640xf32, #tpu.memory_space<vmem>>)
      %gt3A_366 = arith.constant 0 : i32
      %gt3A_367 = arith.cmpi sgt, %scan3A_242, %gt3A_366 : i32
      %convert_element_type3A_368 = arith.extui %gt3A_367 : i1 to i32
      %cond3A_369 = arith.constant 0 : i32
      %cond3A_370 = arith.cmpi ne, %convert_element_type3A_368, %cond3A_369 : i32
      scf.if %cond3A_370 {
        %mul3A_471 = arith.constant 2 : i32
        %mul3A_472 = arith.muli %mul3A_471, %add3A : i32
        %jit3A_473 = arith.constant 16 : i32
        %div3A_474 = arith.divsi %add3A_358, %jit3A_473 : i32
        %sign3A_475 = arith.constant 0 : i32
        %sign3A_476 = arith.cmpi sgt, %add3A_358, %sign3A_475 : i32
        %sign3A_477 = arith.extui %sign3A_476 : i1 to i32
        %sign3A_478 = arith.constant 0 : i32
        %sign3A_479 = arith.cmpi slt, %add3A_358, %sign3A_478 : i32
        %sign3A_480 = arith.extui %sign3A_479 : i1 to i32
        %sign3A_481 = arith.subi %sign3A_477, %sign3A_480 : i32
        %sign3A_482 = arith.constant 0 : i32
        %sign3A_483 = arith.cmpi sgt, %jit3A_473, %sign3A_482 : i32
        %sign3A_484 = arith.extui %sign3A_483 : i1 to i32
        %sign3A_485 = arith.constant 0 : i32
        %sign3A_486 = arith.cmpi slt, %jit3A_473, %sign3A_485 : i32
        %sign3A_487 = arith.extui %sign3A_486 : i1 to i32
        %sign3A_488 = arith.subi %sign3A_484, %sign3A_487 : i32
        %ne3A_489 = arith.cmpi ne, %sign3A_481, %sign3A_488 : i32
        %rem3A_490 = arith.remsi %add3A_358, %jit3A_473 : i32
        %ne3A_491 = arith.constant 0 : i32
        %ne3A_492 = arith.cmpi ne, %rem3A_490, %ne3A_491 : i32
        %and3A_493 = arith.andi %ne3A_489, %ne3A_492 : i1
        %sub3A_494 = arith.constant 1 : i32
        %sub3A_495 = arith.subi %div3A_474, %sub3A_494 : i32
        %select_n3A_496 = arith.select %and3A_493, %sub3A_495, %div3A_474 : i32
        %add3A_497 = arith.addi %mul3A_472, %select_n3A_496 : i32
        %jit3A_498 = arith.constant 16 : i32
        %eq3A_499 = arith.constant 0 : i32
        %eq3A_500 = arith.cmpi eq, %jit3A_498, %eq3A_499 : i32
        %jit3A_501 = arith.constant 1 : i32
        %select_n3A_502 = arith.select %eq3A_500, %jit3A_501, %jit3A_498 : i32
        %rem3A_503 = arith.remsi %add3A_358, %select_n3A_502 : i32
        %ne3A_504 = arith.constant 0 : i32
        %ne3A_505 = arith.cmpi ne, %rem3A_503, %ne3A_504 : i32
        %lt3A_506 = arith.constant 0 : i32
        %lt3A_507 = arith.cmpi slt, %rem3A_503, %lt3A_506 : i32
        %lt3A_508 = arith.constant 0 : i32
        %lt3A_509 = arith.cmpi slt, %select_n3A_502, %lt3A_508 : i32
        %ne3A_510 = arith.xori %lt3A_507, %lt3A_509 : i1
        %and3A_511 = arith.andi %ne3A_510, %ne3A_505 : i1
        %add3A_512 = arith.addi %rem3A_503, %select_n3A_502 : i32
        %select_n3A_513 = arith.select %and3A_511, %add3A_512, %rem3A_503 : i32
        %mul3A_514 = arith.constant 40 : i32
        %mul3A_515 = arith.muli %select_n3A_513, %mul3A_514 : i32
        %jit3A_516 = arith.constant 16 : i32
        %div3A_517 = arith.divsi %add3A_497, %jit3A_516 : i32
        %sign3A_518 = arith.constant 0 : i32
        %sign3A_519 = arith.cmpi sgt, %add3A_497, %sign3A_518 : i32
        %sign3A_520 = arith.extui %sign3A_519 : i1 to i32
        %sign3A_521 = arith.constant 0 : i32
        %sign3A_522 = arith.cmpi slt, %add3A_497, %sign3A_521 : i32
        %sign3A_523 = arith.extui %sign3A_522 : i1 to i32
        %sign3A_524 = arith.subi %sign3A_520, %sign3A_523 : i32
        %sign3A_525 = arith.constant 0 : i32
        %sign3A_526 = arith.cmpi sgt, %jit3A_516, %sign3A_525 : i32
        %sign3A_527 = arith.extui %sign3A_526 : i1 to i32
        %sign3A_528 = arith.constant 0 : i32
        %sign3A_529 = arith.cmpi slt, %jit3A_516, %sign3A_528 : i32
        %sign3A_530 = arith.extui %sign3A_529 : i1 to i32
        %sign3A_531 = arith.subi %sign3A_527, %sign3A_530 : i32
        %ne3A_532 = arith.cmpi ne, %sign3A_524, %sign3A_531 : i32
        %rem3A_533 = arith.remsi %add3A_497, %jit3A_516 : i32
        %ne3A_534 = arith.constant 0 : i32
        %ne3A_535 = arith.cmpi ne, %rem3A_533, %ne3A_534 : i32
        %and3A_536 = arith.andi %ne3A_532, %ne3A_535 : i1
        %sub3A_537 = arith.constant 1 : i32
        %sub3A_538 = arith.subi %div3A_517, %sub3A_537 : i32
        %select_n3A_539 = arith.select %and3A_536, %sub3A_538, %div3A_517 : i32
        %jit3A_540 = arith.constant 16 : i32
        %eq3A_541 = arith.constant 0 : i32
        %eq3A_542 = arith.cmpi eq, %jit3A_540, %eq3A_541 : i32
        %jit3A_543 = arith.constant 1 : i32
        %select_n3A_544 = arith.select %eq3A_542, %jit3A_543, %jit3A_540 : i32
        %rem3A_545 = arith.remsi %add3A_497, %select_n3A_544 : i32
        %ne3A_546 = arith.constant 0 : i32
        %ne3A_547 = arith.cmpi ne, %rem3A_545, %ne3A_546 : i32
        %lt3A_548 = arith.constant 0 : i32
        %lt3A_549 = arith.cmpi slt, %rem3A_545, %lt3A_548 : i32
        %lt3A_550 = arith.constant 0 : i32
        %lt3A_551 = arith.cmpi slt, %select_n3A_544, %lt3A_550 : i32
        %ne3A_552 = arith.xori %lt3A_549, %lt3A_551 : i1
        %and3A_553 = arith.andi %ne3A_552, %ne3A_547 : i1
        %add3A_554 = arith.addi %rem3A_545, %select_n3A_544 : i32
        %select_n3A_555 = arith.select %and3A_553, %add3A_554, %rem3A_545 : i32
        %dma_wait3A_556 = arith.constant 0 : i32
        %dma_wait3A_557 = tpu.memref_slice %arg4[%select_n3A_539, %select_n3A_555, %mul3A_515, %dma_wait3A_556] : memref<4x16x640x320xf32, #tpu.memory_space<hbm>> -> memref<1x1x40x320xf32, #tpu.memory_space<hbm>>
        %dma_wait3A_558 = tpu.memref_squeeze %dma_wait3A_557 : memref<1x1x40x320xf32, #tpu.memory_space<hbm>> -> memref<40x320xf32, #tpu.memory_space<hbm>>
        %dma_wait3A_559 = arith.constant 0 : i32
        %dma_wait3A_560 = tpu.memref_slice %arg4[%select_n3A_539, %select_n3A_555, %mul3A_515, %dma_wait3A_559] : memref<4x16x640x320xf32, #tpu.memory_space<hbm>> -> memref<1x1x40x320xf32, #tpu.memory_space<hbm>>
        %dma_wait3A_561 = tpu.memref_squeeze %dma_wait3A_560 : memref<1x1x40x320xf32, #tpu.memory_space<hbm>> -> memref<40x320xf32, #tpu.memory_space<hbm>>
        tpu.wait_dma2 semaphore(%arg15 : memref<!tpu.dma_semaphore, #tpu.memory_space<semaphore_mem>>) src(%arg8 : memref<40x320xf32, #tpu.memory_space<vmem>>) dst(%dma_wait3A_561 : memref<40x320xf32, #tpu.memory_space<hbm>>)
      } else {
      }
      %parallel_loop3A_371 = arith.constant 0 : i32
      %parallel_loop3A_372 = arith.constant 40 : i32
      %parallel_loop3A_373 = arith.constant 1 : i32
      scf.for %parallel_loop3A_471 = %parallel_loop3A_371 to %parallel_loop3A_372 step %parallel_loop3A_373  : i32 {
        %parallel_loop3A_472 = arith.constant 0 : i32
        %parallel_loop3A_473 = vector.broadcast %parallel_loop3A_472 : i32 to vector<16xi32>
        %parallel_loop3A_474 = vector.broadcast %parallel_loop3A_471 : i32 to vector<16xi32>
        %parallel_loop3A_475 = arith.addi %parallel_loop3A_473, %parallel_loop3A_474 : vector<16xi32>
        %parallel_loop3A_476 = tpu.vector_load_idx %arg6[%parallel_loop3A_475, %get3A_90] : memref<40x640xf32, #tpu.memory_space<vmem>>[vector<16xi32>, vector<16xi32>], vector<16xf32>,
        %parallel_loop3A_477 = arith.index_cast %parallel_loop3A_471 : i32 to index
        %parallel_loop3A_478 = arith.constant 0 : index
        %parallel_loop3A_479 = tpu.vector_load %arg8[%parallel_loop3A_477, %parallel_loop3A_478] {strides = array<i32>} : memref<40x320xf32, #tpu.memory_space<vmem>>, vector<16xf32>,
        tpu.vector_store %arg8[%parallel_loop3A_477, %parallel_loop3A_478], %parallel_loop3A_476 {strides = array<i32>} : memref<40x320xf32, #tpu.memory_space<vmem>>, vector<16xf32>,
        %parallel_loop3A_480 = tpu.vector_load_idx %arg6[%parallel_loop3A_475, %get3A_92] : memref<40x640xf32, #tpu.memory_space<vmem>>[vector<16xi32>, vector<16xi32>], vector<16xf32>,
        %parallel_loop3A_481 = arith.index_cast %parallel_loop3A_471 : i32 to index
        %parallel_loop3A_482 = arith.constant 16 : index
        %parallel_loop3A_483 = tpu.vector_load %arg8[%parallel_loop3A_481, %parallel_loop3A_482] {strides = array<i32>} : memref<40x320xf32, #tpu.memory_space<vmem>>, vector<16xf32>,
        tpu.vector_store %arg8[%parallel_loop3A_481, %parallel_loop3A_482], %parallel_loop3A_480 {strides = array<i32>} : memref<40x320xf32, #tpu.memory_space<vmem>>, vector<16xf32>,
        %parallel_loop3A_484 = tpu.vector_load_idx %arg6[%parallel_loop3A_475, %get3A_94] : memref<40x640xf32, #tpu.memory_space<vmem>>[vector<16xi32>, vector<16xi32>], vector<16xf32>,
        %parallel_loop3A_485 = arith.index_cast %parallel_loop3A_471 : i32 to index
        %parallel_loop3A_486 = arith.constant 32 : index
        %parallel_loop3A_487 = tpu.vector_load %arg8[%parallel_loop3A_485, %parallel_loop3A_486] {strides = array<i32>} : memref<40x320xf32, #tpu.memory_space<vmem>>, vector<16xf32>,
        tpu.vector_store %arg8[%parallel_loop3A_485, %parallel_loop3A_486], %parallel_loop3A_484 {strides = array<i32>} : memref<40x320xf32, #tpu.memory_space<vmem>>, vector<16xf32>,
        %parallel_loop3A_488 = tpu.vector_load_idx %arg6[%parallel_loop3A_475, %get3A_96] : memref<40x640xf32, #tpu.memory_space<vmem>>[vector<16xi32>, vector<16xi32>], vector<16xf32>,
        %parallel_loop3A_489 = arith.index_cast %parallel_loop3A_471 : i32 to index
        %parallel_loop3A_490 = arith.constant 48 : index
        %parallel_loop3A_491 = tpu.vector_load %arg8[%parallel_loop3A_489, %parallel_loop3A_490] {strides = array<i32>} : memref<40x320xf32, #tpu.memory_space<vmem>>, vector<16xf32>,
        tpu.vector_store %arg8[%parallel_loop3A_489, %parallel_loop3A_490], %parallel_loop3A_488 {strides = array<i32>} : memref<40x320xf32, #tpu.memory_space<vmem>>, vector<16xf32>,
        %parallel_loop3A_492 = tpu.vector_load_idx %arg6[%parallel_loop3A_475, %get3A_98] : memref<40x640xf32, #tpu.memory_space<vmem>>[vector<16xi32>, vector<16xi32>], vector<16xf32>,
        %parallel_loop3A_493 = arith.index_cast %parallel_loop3A_471 : i32 to index
        %parallel_loop3A_494 = arith.constant 64 : index
        %parallel_loop3A_495 = tpu.vector_load %arg8[%parallel_loop3A_493, %parallel_loop3A_494] {strides = array<i32>} : memref<40x320xf32, #tpu.memory_space<vmem>>, vector<16xf32>,
        tpu.vector_store %arg8[%parallel_loop3A_493, %parallel_loop3A_494], %parallel_loop3A_492 {strides = array<i32>} : memref<40x320xf32, #tpu.memory_space<vmem>>, vector<16xf32>,
        %parallel_loop3A_496 = tpu.vector_load_idx %arg6[%parallel_loop3A_475, %get3A_100] : memref<40x640xf32, #tpu.memory_space<vmem>>[vector<16xi32>, vector<16xi32>], vector<16xf32>,
        %parallel_loop3A_497 = arith.index_cast %parallel_loop3A_471 : i32 to index
        %parallel_loop3A_498 = arith.constant 80 : index
        %parallel_loop3A_499 = tpu.vector_load %arg8[%parallel_loop3A_497, %parallel_loop3A_498] {strides = array<i32>} : memref<40x320xf32, #tpu.memory_space<vmem>>, vector<16xf32>,
        tpu.vector_store %arg8[%parallel_loop3A_497, %parallel_loop3A_498], %parallel_loop3A_496 {strides = array<i32>} : memref<40x320xf32, #tpu.memory_space<vmem>>, vector<16xf32>,
        %parallel_loop3A_500 = tpu.vector_load_idx %arg6[%parallel_loop3A_475, %get3A_102] : memref<40x640xf32, #tpu.memory_space<vmem>>[vector<16xi32>, vector<16xi32>], vector<16xf32>,
        %parallel_loop3A_501 = arith.index_cast %parallel_loop3A_471 : i32 to index
        %parallel_loop3A_502 = arith.constant 96 : index
        %parallel_loop3A_503 = tpu.vector_load %arg8[%parallel_loop3A_501, %parallel_loop3A_502] {strides = array<i32>} : memref<40x320xf32, #tpu.memory_space<vmem>>, vector<16xf32>,
        tpu.vector_store %arg8[%parallel_loop3A_501, %parallel_loop3A_502], %parallel_loop3A_500 {strides = array<i32>} : memref<40x320xf32, #tpu.memory_space<vmem>>, vector<16xf32>,
        %parallel_loop3A_504 = tpu.vector_load_idx %arg6[%parallel_loop3A_475, %get3A_104] : memref<40x640xf32, #tpu.memory_space<vmem>>[vector<16xi32>, vector<16xi32>], vector<16xf32>,
        %parallel_loop3A_505 = arith.index_cast %parallel_loop3A_471 : i32 to index
        %parallel_loop3A_506 = arith.constant 112 : index
        %parallel_loop3A_507 = tpu.vector_load %arg8[%parallel_loop3A_505, %parallel_loop3A_506] {strides = array<i32>} : memref<40x320xf32, #tpu.memory_space<vmem>>, vector<16xf32>,
        tpu.vector_store %arg8[%parallel_loop3A_505, %parallel_loop3A_506], %parallel_loop3A_504 {strides = array<i32>} : memref<40x320xf32, #tpu.memory_space<vmem>>, vector<16xf32>,
        %parallel_loop3A_508 = tpu.vector_load_idx %arg6[%parallel_loop3A_475, %get3A_106] : memref<40x640xf32, #tpu.memory_space<vmem>>[vector<16xi32>, vector<16xi32>], vector<16xf32>,
        %parallel_loop3A_509 = arith.index_cast %parallel_loop3A_471 : i32 to index
        %parallel_loop3A_510 = arith.constant 128 : index
        %parallel_loop3A_511 = tpu.vector_load %arg8[%parallel_loop3A_509, %parallel_loop3A_510] {strides = array<i32>} : memref<40x320xf32, #tpu.memory_space<vmem>>, vector<16xf32>,
        tpu.vector_store %arg8[%parallel_loop3A_509, %parallel_loop3A_510], %parallel_loop3A_508 {strides = array<i32>} : memref<40x320xf32, #tpu.memory_space<vmem>>, vector<16xf32>,
        %parallel_loop3A_512 = tpu.vector_load_idx %arg6[%parallel_loop3A_475, %get3A_108] : memref<40x640xf32, #tpu.memory_space<vmem>>[vector<16xi32>, vector<16xi32>], vector<16xf32>,
        %parallel_loop3A_513 = arith.index_cast %parallel_loop3A_471 : i32 to index
        %parallel_loop3A_514 = arith.constant 144 : index
        %parallel_loop3A_515 = tpu.vector_load %arg8[%parallel_loop3A_513, %parallel_loop3A_514] {strides = array<i32>} : memref<40x320xf32, #tpu.memory_space<vmem>>, vector<16xf32>,
        tpu.vector_store %arg8[%parallel_loop3A_513, %parallel_loop3A_514], %parallel_loop3A_512 {strides = array<i32>} : memref<40x320xf32, #tpu.memory_space<vmem>>, vector<16xf32>,
        %parallel_loop3A_516 = tpu.vector_load_idx %arg6[%parallel_loop3A_475, %get3A_110] : memref<40x640xf32, #tpu.memory_space<vmem>>[vector<16xi32>, vector<16xi32>], vector<16xf32>,
        %parallel_loop3A_517 = arith.index_cast %parallel_loop3A_471 : i32 to index
        %parallel_loop3A_518 = arith.constant 160 : index
        %parallel_loop3A_519 = tpu.vector_load %arg8[%parallel_loop3A_517, %parallel_loop3A_518] {strides = array<i32>} : memref<40x320xf32, #tpu.memory_space<vmem>>, vector<16xf32>,
        tpu.vector_store %arg8[%parallel_loop3A_517, %parallel_loop3A_518], %parallel_loop3A_516 {strides = array<i32>} : memref<40x320xf32, #tpu.memory_space<vmem>>, vector<16xf32>,
        %parallel_loop3A_520 = tpu.vector_load_idx %arg6[%parallel_loop3A_475, %get3A_112] : memref<40x640xf32, #tpu.memory_space<vmem>>[vector<16xi32>, vector<16xi32>], vector<16xf32>,
        %parallel_loop3A_521 = arith.index_cast %parallel_loop3A_471 : i32 to index
        %parallel_loop3A_522 = arith.constant 176 : index
        %parallel_loop3A_523 = tpu.vector_load %arg8[%parallel_loop3A_521, %parallel_loop3A_522] {strides = array<i32>} : memref<40x320xf32, #tpu.memory_space<vmem>>, vector<16xf32>,
        tpu.vector_store %arg8[%parallel_loop3A_521, %parallel_loop3A_522], %parallel_loop3A_520 {strides = array<i32>} : memref<40x320xf32, #tpu.memory_space<vmem>>, vector<16xf32>,
        %parallel_loop3A_524 = tpu.vector_load_idx %arg6[%parallel_loop3A_475, %get3A_114] : memref<40x640xf32, #tpu.memory_space<vmem>>[vector<16xi32>, vector<16xi32>], vector<16xf32>,
        %parallel_loop3A_525 = arith.index_cast %parallel_loop3A_471 : i32 to index
        %parallel_loop3A_526 = arith.constant 192 : index
        %parallel_loop3A_527 = tpu.vector_load %arg8[%parallel_loop3A_525, %parallel_loop3A_526] {strides = array<i32>} : memref<40x320xf32, #tpu.memory_space<vmem>>, vector<16xf32>,
        tpu.vector_store %arg8[%parallel_loop3A_525, %parallel_loop3A_526], %parallel_loop3A_524 {strides = array<i32>} : memref<40x320xf32, #tpu.memory_space<vmem>>, vector<16xf32>,
        %parallel_loop3A_528 = tpu.vector_load_idx %arg6[%parallel_loop3A_475, %get3A_116] : memref<40x640xf32, #tpu.memory_space<vmem>>[vector<16xi32>, vector<16xi32>], vector<16xf32>,
        %parallel_loop3A_529 = arith.index_cast %parallel_loop3A_471 : i32 to index
        %parallel_loop3A_530 = arith.constant 208 : index
        %parallel_loop3A_531 = tpu.vector_load %arg8[%parallel_loop3A_529, %parallel_loop3A_530] {strides = array<i32>} : memref<40x320xf32, #tpu.memory_space<vmem>>, vector<16xf32>,
        tpu.vector_store %arg8[%parallel_loop3A_529, %parallel_loop3A_530], %parallel_loop3A_528 {strides = array<i32>} : memref<40x320xf32, #tpu.memory_space<vmem>>, vector<16xf32>,
        %parallel_loop3A_532 = tpu.vector_load_idx %arg6[%parallel_loop3A_475, %get3A_118] : memref<40x640xf32, #tpu.memory_space<vmem>>[vector<16xi32>, vector<16xi32>], vector<16xf32>,
        %parallel_loop3A_533 = arith.index_cast %parallel_loop3A_471 : i32 to index
        %parallel_loop3A_534 = arith.constant 224 : index
        %parallel_loop3A_535 = tpu.vector_load %arg8[%parallel_loop3A_533, %parallel_loop3A_534] {strides = array<i32>} : memref<40x320xf32, #tpu.memory_space<vmem>>, vector<16xf32>,
        tpu.vector_store %arg8[%parallel_loop3A_533, %parallel_loop3A_534], %parallel_loop3A_532 {strides = array<i32>} : memref<40x320xf32, #tpu.memory_space<vmem>>, vector<16xf32>,
        %parallel_loop3A_536 = tpu.vector_load_idx %arg6[%parallel_loop3A_475, %get3A_120] : memref<40x640xf32, #tpu.memory_space<vmem>>[vector<16xi32>, vector<16xi32>], vector<16xf32>,
        %parallel_loop3A_537 = arith.index_cast %parallel_loop3A_471 : i32 to index
        %parallel_loop3A_538 = arith.constant 240 : index
        %parallel_loop3A_539 = tpu.vector_load %arg8[%parallel_loop3A_537, %parallel_loop3A_538] {strides = array<i32>} : memref<40x320xf32, #tpu.memory_space<vmem>>, vector<16xf32>,
        tpu.vector_store %arg8[%parallel_loop3A_537, %parallel_loop3A_538], %parallel_loop3A_536 {strides = array<i32>} : memref<40x320xf32, #tpu.memory_space<vmem>>, vector<16xf32>,
        %parallel_loop3A_540 = tpu.vector_load_idx %arg6[%parallel_loop3A_475, %get3A_122] : memref<40x640xf32, #tpu.memory_space<vmem>>[vector<16xi32>, vector<16xi32>], vector<16xf32>,
        %parallel_loop3A_541 = arith.index_cast %parallel_loop3A_471 : i32 to index
        %parallel_loop3A_542 = arith.constant 256 : index
        %parallel_loop3A_543 = tpu.vector_load %arg8[%parallel_loop3A_541, %parallel_loop3A_542] {strides = array<i32>} : memref<40x320xf32, #tpu.memory_space<vmem>>, vector<16xf32>,
        tpu.vector_store %arg8[%parallel_loop3A_541, %parallel_loop3A_542], %parallel_loop3A_540 {strides = array<i32>} : memref<40x320xf32, #tpu.memory_space<vmem>>, vector<16xf32>,
        %parallel_loop3A_544 = tpu.vector_load_idx %arg6[%parallel_loop3A_475, %get3A_124] : memref<40x640xf32, #tpu.memory_space<vmem>>[vector<16xi32>, vector<16xi32>], vector<16xf32>,
        %parallel_loop3A_545 = arith.index_cast %parallel_loop3A_471 : i32 to index
        %parallel_loop3A_546 = arith.constant 272 : index
        %parallel_loop3A_547 = tpu.vector_load %arg8[%parallel_loop3A_545, %parallel_loop3A_546] {strides = array<i32>} : memref<40x320xf32, #tpu.memory_space<vmem>>, vector<16xf32>,
        tpu.vector_store %arg8[%parallel_loop3A_545, %parallel_loop3A_546], %parallel_loop3A_544 {strides = array<i32>} : memref<40x320xf32, #tpu.memory_space<vmem>>, vector<16xf32>,
        %parallel_loop3A_548 = tpu.vector_load_idx %arg6[%parallel_loop3A_475, %get3A_126] : memref<40x640xf32, #tpu.memory_space<vmem>>[vector<16xi32>, vector<16xi32>], vector<16xf32>,
        %parallel_loop3A_549 = arith.index_cast %parallel_loop3A_471 : i32 to index
        %parallel_loop3A_550 = arith.constant 288 : index
        %parallel_loop3A_551 = tpu.vector_load %arg8[%parallel_loop3A_549, %parallel_loop3A_550] {strides = array<i32>} : memref<40x320xf32, #tpu.memory_space<vmem>>, vector<16xf32>,
        tpu.vector_store %arg8[%parallel_loop3A_549, %parallel_loop3A_550], %parallel_loop3A_548 {strides = array<i32>} : memref<40x320xf32, #tpu.memory_space<vmem>>, vector<16xf32>,
        %parallel_loop3A_552 = tpu.vector_load_idx %arg6[%parallel_loop3A_475, %get3A_128] : memref<40x640xf32, #tpu.memory_space<vmem>>[vector<16xi32>, vector<16xi32>], vector<16xf32>,
        %parallel_loop3A_553 = arith.index_cast %parallel_loop3A_471 : i32 to index
        %parallel_loop3A_554 = arith.constant 304 : index
        %parallel_loop3A_555 = tpu.vector_load %arg8[%parallel_loop3A_553, %parallel_loop3A_554] {strides = array<i32>} : memref<40x320xf32, #tpu.memory_space<vmem>>, vector<16xf32>,
        tpu.vector_store %arg8[%parallel_loop3A_553, %parallel_loop3A_554], %parallel_loop3A_552 {strides = array<i32>} : memref<40x320xf32, #tpu.memory_space<vmem>>, vector<16xf32>,
      } {sc.loop_unroll_factor = 1 : i64, sc.parallel_access}
      %mul3A_374 = arith.constant 2 : i32
      %mul3A_375 = arith.muli %mul3A_374, %add3A : i32
      %jit3A_376 = arith.constant 16 : i32
      %div3A_377 = arith.divsi %add3A_358, %jit3A_376 : i32
      %sign3A_378 = arith.constant 0 : i32
      %sign3A_379 = arith.cmpi sgt, %add3A_358, %sign3A_378 : i32
      %sign3A_380 = arith.extui %sign3A_379 : i1 to i32
      %sign3A_381 = arith.constant 0 : i32
      %sign3A_382 = arith.cmpi slt, %add3A_358, %sign3A_381 : i32
      %sign3A_383 = arith.extui %sign3A_382 : i1 to i32
      %sign3A_384 = arith.subi %sign3A_380, %sign3A_383 : i32
      %sign3A_385 = arith.constant 0 : i32
      %sign3A_386 = arith.cmpi sgt, %jit3A_376, %sign3A_385 : i32
      %sign3A_387 = arith.extui %sign3A_386 : i1 to i32
      %sign3A_388 = arith.constant 0 : i32
      %sign3A_389 = arith.cmpi slt, %jit3A_376, %sign3A_388 : i32
      %sign3A_390 = arith.extui %sign3A_389 : i1 to i32
      %sign3A_391 = arith.subi %sign3A_387, %sign3A_390 : i32
      %ne3A_392 = arith.cmpi ne, %sign3A_384, %sign3A_391 : i32
      %rem3A_393 = arith.remsi %add3A_358, %jit3A_376 : i32
      %ne3A_394 = arith.constant 0 : i32
      %ne3A_395 = arith.cmpi ne, %rem3A_393, %ne3A_394 : i32
      %and3A_396 = arith.andi %ne3A_392, %ne3A_395 : i1
      %sub3A_397 = arith.constant 1 : i32
      %sub3A_398 = arith.subi %div3A_377, %sub3A_397 : i32
      %select_n3A_399 = arith.select %and3A_396, %sub3A_398, %div3A_377 : i32
      %add3A_400 = arith.addi %mul3A_375, %select_n3A_399 : i32
      %jit3A_401 = arith.constant 16 : i32
      %eq3A_402 = arith.constant 0 : i32
      %eq3A_403 = arith.cmpi eq, %jit3A_401, %eq3A_402 : i32
      %jit3A_404 = arith.constant 1 : i32
      %select_n3A_405 = arith.select %eq3A_403, %jit3A_404, %jit3A_401 : i32
      %rem3A_406 = arith.remsi %add3A_358, %select_n3A_405 : i32
      %ne3A_407 = arith.constant 0 : i32
      %ne3A_408 = arith.cmpi ne, %rem3A_406, %ne3A_407 : i32
      %lt3A_409 = arith.constant 0 : i32
      %lt3A_410 = arith.cmpi slt, %rem3A_406, %lt3A_409 : i32
      %lt3A_411 = arith.constant 0 : i32
      %lt3A_412 = arith.cmpi slt, %select_n3A_405, %lt3A_411 : i32
      %ne3A_413 = arith.xori %lt3A_410, %lt3A_412 : i1
      %and3A_414 = arith.andi %ne3A_413, %ne3A_408 : i1
      %add3A_415 = arith.addi %rem3A_406, %select_n3A_405 : i32
      %select_n3A_416 = arith.select %and3A_414, %add3A_415, %rem3A_406 : i32
      %mul3A_417 = arith.constant 40 : i32
      %mul3A_418 = arith.muli %select_n3A_416, %mul3A_417 : i32
      %jit3A_419 = arith.constant 16 : i32
      %div3A_420 = arith.divsi %add3A_400, %jit3A_419 : i32
      %sign3A_421 = arith.constant 0 : i32
      %sign3A_422 = arith.cmpi sgt, %add3A_400, %sign3A_421 : i32
      %sign3A_423 = arith.extui %sign3A_422 : i1 to i32
      %sign3A_424 = arith.constant 0 : i32
      %sign3A_425 = arith.cmpi slt, %add3A_400, %sign3A_424 : i32
      %sign3A_426 = arith.extui %sign3A_425 : i1 to i32
      %sign3A_427 = arith.subi %sign3A_423, %sign3A_426 : i32
      %sign3A_428 = arith.constant 0 : i32
      %sign3A_429 = arith.cmpi sgt, %jit3A_419, %sign3A_428 : i32
      %sign3A_430 = arith.extui %sign3A_429 : i1 to i32
      %sign3A_431 = arith.constant 0 : i32
      %sign3A_432 = arith.cmpi slt, %jit3A_419, %sign3A_431 : i32
      %sign3A_433 = arith.extui %sign3A_432 : i1 to i32
      %sign3A_434 = arith.subi %sign3A_430, %sign3A_433 : i32
      %ne3A_435 = arith.cmpi ne, %sign3A_427, %sign3A_434 : i32
      %rem3A_436 = arith.remsi %add3A_400, %jit3A_419 : i32
      %ne3A_437 = arith.constant 0 : i32
      %ne3A_438 = arith.cmpi ne, %rem3A_436, %ne3A_437 : i32
      %and3A_439 = arith.andi %ne3A_435, %ne3A_438 : i1
      %sub3A_440 = arith.constant 1 : i32
      %sub3A_441 = arith.subi %div3A_420, %sub3A_440 : i32
      %select_n3A_442 = arith.select %and3A_439, %sub3A_441, %div3A_420 : i32
      %jit3A_443 = arith.constant 16 : i32
      %eq3A_444 = arith.constant 0 : i32
      %eq3A_445 = arith.cmpi eq, %jit3A_443, %eq3A_444 : i32
      %jit3A_446 = arith.constant 1 : i32
      %select_n3A_447 = arith.select %eq3A_445, %jit3A_446, %jit3A_443 : i32
      %rem3A_448 = arith.remsi %add3A_400, %select_n3A_447 : i32
      %ne3A_449 = arith.constant 0 : i32
      %ne3A_450 = arith.cmpi ne, %rem3A_448, %ne3A_449 : i32
      %lt3A_451 = arith.constant 0 : i32
      %lt3A_452 = arith.cmpi slt, %rem3A_448, %lt3A_451 : i32
      %lt3A_453 = arith.constant 0 : i32
      %lt3A_454 = arith.cmpi slt, %select_n3A_447, %lt3A_453 : i32
      %ne3A_455 = arith.xori %lt3A_452, %lt3A_454 : i1
      %and3A_456 = arith.andi %ne3A_455, %ne3A_450 : i1
      %add3A_457 = arith.addi %rem3A_448, %select_n3A_447 : i32
      %select_n3A_458 = arith.select %and3A_456, %add3A_457, %rem3A_448 : i32
      %dma_start3A_459 = arith.constant 0 : i32
      %dma_start3A_460 = tpu.memref_slice %arg4[%select_n3A_442, %select_n3A_458, %mul3A_418, %dma_start3A_459] : memref<4x16x640x320xf32, #tpu.memory_space<hbm>> -> memref<1x1x40x320xf32, #tpu.memory_space<hbm>>
      %dma_start3A_461 = tpu.memref_squeeze %dma_start3A_460 : memref<1x1x40x320xf32, #tpu.memory_space<hbm>> -> memref<40x320xf32, #tpu.memory_space<hbm>>
      %dma_start3A_462 = arith.constant 0 : i32
      %dma_start3A_463 = tpu.memref_slice %arg4[%select_n3A_442, %select_n3A_458, %mul3A_418, %dma_start3A_462] : memref<4x16x640x320xf32, #tpu.memory_space<hbm>> -> memref<1x1x40x320xf32, #tpu.memory_space<hbm>>
      %dma_start3A_464 = tpu.memref_squeeze %dma_start3A_463 : memref<1x1x40x320xf32, #tpu.memory_space<hbm>> -> memref<40x320xf32, #tpu.memory_space<hbm>>
      tpu.enqueue_dma source(%arg8 : memref<40x320xf32, #tpu.memory_space<vmem>>) target(%dma_start3A_464 : memref<40x320xf32, #tpu.memory_space<hbm>>) target_semaphore(%arg15 : memref<!tpu.dma_semaphore, #tpu.memory_space<semaphore_mem>>)
      %lt3A_465 = arith.constant 15 : i32
      %lt3A_466 = arith.cmpi slt, %scan3A_242, %lt3A_465 : i32
      %convert_element_type3A_467 = arith.extui %lt3A_466 : i1 to i32
      %cond3A_468 = arith.constant 0 : i32
      %cond3A_469 = arith.cmpi ne, %convert_element_type3A_467, %cond3A_468 : i32
      scf.if %cond3A_469 {
        %add3A_471 = arith.constant 2 : i32
        %add3A_472 = arith.addi %add3A_358, %add3A_471 : i32
        %mul3A_473 = arith.constant 40 : i32
        %mul3A_474 = arith.muli %add3A_472, %mul3A_473 : i32
        %add3A_475 = arith.addi %mul3A_130, %mul3A_474 : i32
        %dma_start3A_476 = arith.constant 0 : i32
        %dma_start3A_477 = tpu.memref_slice %arg2[%add3A_475, %dma_start3A_476] : memref<40960x640xf32, #tpu.memory_space<hbm>> -> memref<40x640xf32, #tpu.memory_space<hbm>>
        %dma_start3A_478 = arith.constant 0 : i32
        %dma_start3A_479 = tpu.memref_slice %arg2[%add3A_475, %dma_start3A_478] : memref<40960x640xf32, #tpu.memory_space<hbm>> -> memref<40x640xf32, #tpu.memory_space<hbm>>
        tpu.enqueue_dma source(%dma_start3A_479 : memref<40x640xf32, #tpu.memory_space<hbm>>) target(%arg6 : memref<40x640xf32, #tpu.memory_space<vmem>>) target_semaphore(%arg13 : memref<!tpu.dma_semaphore, #tpu.memory_space<semaphore_mem>>)
      } else {
      }
      %scan3A_470 = arith.constant 0 : i32
      scf.yield %scan3A_470 : i32
    }
    %scan3A_148 = arith.constant 16 : i32
    %mul3A_149 = arith.constant 2 : i32
    %mul3A_150 = arith.muli %mul3A_149, %add3A : i32
    %add3A_151 = arith.constant 1 : i32
    %add3A_152 = arith.addi %mul3A_150, %add3A_151 : i32
    %jit3A = arith.constant 16 : i32
    %div3A = arith.divsi %add3A_152, %jit3A : i32
    %sign3A = arith.constant 0 : i32
    %sign3A_153 = arith.cmpi sgt, %add3A_152, %sign3A : i32
    %sign3A_154 = arith.extui %sign3A_153 : i1 to i32
    %sign3A_155 = arith.constant 0 : i32
    %sign3A_156 = arith.cmpi slt, %add3A_152, %sign3A_155 : i32
    %sign3A_157 = arith.extui %sign3A_156 : i1 to i32
    %sign3A_158 = arith.subi %sign3A_154, %sign3A_157 : i32
    %sign3A_159 = arith.constant 0 : i32
    %sign3A_160 = arith.cmpi sgt, %jit3A, %sign3A_159 : i32
    %sign3A_161 = arith.extui %sign3A_160 : i1 to i32
    %sign3A_162 = arith.constant 0 : i32
    %sign3A_163 = arith.cmpi slt, %jit3A, %sign3A_162 : i32
    %sign3A_164 = arith.extui %sign3A_163 : i1 to i32
    %sign3A_165 = arith.subi %sign3A_161, %sign3A_164 : i32
    %ne3A = arith.cmpi ne, %sign3A_158, %sign3A_165 : i32
    %rem3A = arith.remsi %add3A_152, %jit3A : i32
    %ne3A_166 = arith.constant 0 : i32
    %ne3A_167 = arith.cmpi ne, %rem3A, %ne3A_166 : i32
    %and3A = arith.andi %ne3A, %ne3A_167 : i1
    %sub3A = arith.constant 1 : i32
    %sub3A_168 = arith.subi %div3A, %sub3A : i32
    %select_n3A = arith.select %and3A, %sub3A_168, %div3A : i32
    %jit3A_169 = arith.constant 16 : i32
    %eq3A = arith.constant 0 : i32
    %eq3A_170 = arith.cmpi eq, %jit3A_169, %eq3A : i32
    %jit3A_171 = arith.constant 1 : i32
    %select_n3A_172 = arith.select %eq3A_170, %jit3A_171, %jit3A_169 : i32
    %rem3A_173 = arith.remsi %add3A_152, %select_n3A_172 : i32
    %ne3A_174 = arith.constant 0 : i32
    %ne3A_175 = arith.cmpi ne, %rem3A_173, %ne3A_174 : i32
    %lt3A = arith.constant 0 : i32
    %lt3A_176 = arith.cmpi slt, %rem3A_173, %lt3A : i32
    %lt3A_177 = arith.constant 0 : i32
    %lt3A_178 = arith.cmpi slt, %select_n3A_172, %lt3A_177 : i32
    %ne3A_179 = arith.xori %lt3A_176, %lt3A_178 : i1
    %and3A_180 = arith.andi %ne3A_179, %ne3A_175 : i1
    %add3A_181 = arith.addi %rem3A_173, %select_n3A_172 : i32
    %select_n3A_182 = arith.select %and3A_180, %add3A_181, %rem3A_173 : i32
    %dma_wait3A = arith.constant 560 : i32
    %dma_wait3A_183 = arith.constant 0 : i32
    %dma_wait3A_184 = tpu.memref_slice %arg4[%select_n3A, %select_n3A_182, %dma_wait3A, %dma_wait3A_183] : memref<4x16x640x320xf32, #tpu.memory_space<hbm>> -> memref<1x1x40x320xf32, #tpu.memory_space<hbm>>
    %dma_wait3A_185 = tpu.memref_squeeze %dma_wait3A_184 : memref<1x1x40x320xf32, #tpu.memory_space<hbm>> -> memref<40x320xf32, #tpu.memory_space<hbm>>
    %dma_wait3A_186 = arith.constant 560 : i32
    %dma_wait3A_187 = arith.constant 0 : i32
    %dma_wait3A_188 = tpu.memref_slice %arg4[%select_n3A, %select_n3A_182, %dma_wait3A_186, %dma_wait3A_187] : memref<4x16x640x320xf32, #tpu.memory_space<hbm>> -> memref<1x1x40x320xf32, #tpu.memory_space<hbm>>
    %dma_wait3A_189 = tpu.memref_squeeze %dma_wait3A_188 : memref<1x1x40x320xf32, #tpu.memory_space<hbm>> -> memref<40x320xf32, #tpu.memory_space<hbm>>
    tpu.wait_dma2 semaphore(%arg14 : memref<!tpu.dma_semaphore, #tpu.memory_space<semaphore_mem>>) src(%arg7 : memref<40x320xf32, #tpu.memory_space<vmem>>) dst(%dma_wait3A_189 : memref<40x320xf32, #tpu.memory_space<hbm>>)
    %mul3A_190 = arith.constant 2 : i32
    %mul3A_191 = arith.muli %mul3A_190, %add3A : i32
    %add3A_192 = arith.constant 1 : i32
    %add3A_193 = arith.addi %mul3A_191, %add3A_192 : i32
    %jit3A_194 = arith.constant 16 : i32
    %div3A_195 = arith.divsi %add3A_193, %jit3A_194 : i32
    %sign3A_196 = arith.constant 0 : i32
    %sign3A_197 = arith.cmpi sgt, %add3A_193, %sign3A_196 : i32
    %sign3A_198 = arith.extui %sign3A_197 : i1 to i32
    %sign3A_199 = arith.constant 0 : i32
    %sign3A_200 = arith.cmpi slt, %add3A_193, %sign3A_199 : i32
    %sign3A_201 = arith.extui %sign3A_200 : i1 to i32
    %sign3A_202 = arith.subi %sign3A_198, %sign3A_201 : i32
    %sign3A_203 = arith.constant 0 : i32
    %sign3A_204 = arith.cmpi sgt, %jit3A_194, %sign3A_203 : i32
    %sign3A_205 = arith.extui %sign3A_204 : i1 to i32
    %sign3A_206 = arith.constant 0 : i32
    %sign3A_207 = arith.cmpi slt, %jit3A_194, %sign3A_206 : i32
    %sign3A_208 = arith.extui %sign3A_207 : i1 to i32
    %sign3A_209 = arith.subi %sign3A_205, %sign3A_208 : i32
    %ne3A_210 = arith.cmpi ne, %sign3A_202, %sign3A_209 : i32
    %rem3A_211 = arith.remsi %add3A_193, %jit3A_194 : i32
    %ne3A_212 = arith.constant 0 : i32
    %ne3A_213 = arith.cmpi ne, %rem3A_211, %ne3A_212 : i32
    %and3A_214 = arith.andi %ne3A_210, %ne3A_213 : i1
    %sub3A_215 = arith.constant 1 : i32
    %sub3A_216 = arith.subi %div3A_195, %sub3A_215 : i32
    %select_n3A_217 = arith.select %and3A_214, %sub3A_216, %div3A_195 : i32
    %jit3A_218 = arith.constant 16 : i32
    %eq3A_219 = arith.constant 0 : i32
    %eq3A_220 = arith.cmpi eq, %jit3A_218, %eq3A_219 : i32
    %jit3A_221 = arith.constant 1 : i32
    %select_n3A_222 = arith.select %eq3A_220, %jit3A_221, %jit3A_218 : i32
    %rem3A_223 = arith.remsi %add3A_193, %select_n3A_222 : i32
    %ne3A_224 = arith.constant 0 : i32
    %ne3A_225 = arith.cmpi ne, %rem3A_223, %ne3A_224 : i32
    %lt3A_226 = arith.constant 0 : i32
    %lt3A_227 = arith.cmpi slt, %rem3A_223, %lt3A_226 : i32
    %lt3A_228 = arith.constant 0 : i32
    %lt3A_229 = arith.cmpi slt, %select_n3A_222, %lt3A_228 : i32
    %ne3A_230 = arith.xori %lt3A_227, %lt3A_229 : i1
    %and3A_231 = arith.andi %ne3A_230, %ne3A_225 : i1
    %add3A_232 = arith.addi %rem3A_223, %select_n3A_222 : i32
    %select_n3A_233 = arith.select %and3A_231, %add3A_232, %rem3A_223 : i32
    %dma_wait3A_234 = arith.constant 600 : i32
    %dma_wait3A_235 = arith.constant 0 : i32
    %dma_wait3A_236 = tpu.memref_slice %arg4[%select_n3A_217, %select_n3A_233, %dma_wait3A_234, %dma_wait3A_235] : memref<4x16x640x320xf32, #tpu.memory_space<hbm>> -> memref<1x1x40x320xf32, #tpu.memory_space<hbm>>
    %dma_wait3A_237 = tpu.memref_squeeze %dma_wait3A_236 : memref<1x1x40x320xf32, #tpu.memory_space<hbm>> -> memref<40x320xf32, #tpu.memory_space<hbm>>
    %dma_wait3A_238 = arith.constant 600 : i32
    %dma_wait3A_239 = arith.constant 0 : i32
    %dma_wait3A_240 = tpu.memref_slice %arg4[%select_n3A_217, %select_n3A_233, %dma_wait3A_238, %dma_wait3A_239] : memref<4x16x640x320xf32, #tpu.memory_space<hbm>> -> memref<1x1x40x320xf32, #tpu.memory_space<hbm>>
    %dma_wait3A_241 = tpu.memref_squeeze %dma_wait3A_240 : memref<1x1x40x320xf32, #tpu.memory_space<hbm>> -> memref<40x320xf32, #tpu.memory_space<hbm>>
    tpu.wait_dma2 semaphore(%arg15 : memref<!tpu.dma_semaphore, #tpu.memory_space<semaphore_mem>>) src(%arg8 : memref<40x320xf32, #tpu.memory_space<vmem>>) dst(%dma_wait3A_241 : memref<40x320xf32, #tpu.memory_space<hbm>>)
    return
  }
}

</mosaic_0001>

<sc_bundles>
// kernel: kernel.3.cloned.1.call-start
scs
__scs_entry_jumppad:
0x0: {  	(pc) =	sbr.rel $0x88, $3  }
0x1: {  	(tag) =	ssettag $0x0;
	lr =	simm.s32 $0x1  }
0x2: {  	[smem:$0x3F9F] =	sst lr;
	_ =	strace $0xD0000000  }
0x3: {  	_ = 	snop  }
0x4: {  	_ = 	snop  }
0x5: {  	_ = 	snop  }
0x6: {  	_ = 	snop  }
0x7: {  	_ = 	snop  }
__scs_overlays_trampoline_lowered:
0x8: {  	[smem:$0x3FAE] =	sst s0  }
0x9: {  	[smem:$0x3FAF] =	sst s1  }
0xa: {  	[smem:$0x3FB0] =	sst s2  }
0xb: {  	[smem:$0x3FB1] =	sst s3  }
0xc: {  	[smem:$0x3FB2] =	sst s4  }
0xd: {  	[smem:$0x3FB3] =	sst s5  }
0xe: {  	[smem:$0x3FB4] =	sst s6  }
0xf: {  	[smem:$0x3FB5] =	sst s7  }
0x10: {  	[smem:$0x3FB6] =	sst s8  }
0x11: {  	[smem:$0x3FB7] =	sst s9;
	s0 =	simm.s32 @!p0 $0x0  }
0x12: {  	s1 =	sld [smem:$0x3F9D];
	s0 =	simm.s32 @p0 $0x1  }
0x13: {  	[smem:$0x3FB8] =	sst s0;
	s0 =	simm.s32 @!p1 $0x0  }
0x14: {  	s2 =	sld [smem:$0x3F9C];
	s0 =	simm.s32 @p1 $0x1  }
0x15: {  	[smem:$0x3FB9] =	sst s0;
	s0 =	simm.s32 @!p2 $0x0  }
0x16: {  	s3 =	sld [smem:$0x3FDB];
	s0 =	simm.s32 @p2 $0x1  }
0x17: {  	s4 =	simm.s32 $0x1BF5;
	[smem:$0x3FBB] =	sst s0  }
0x18: {  	s0 =	sld [smem:$0x3F9E];
	_ =	swait.ge [sflag:s4], $0x0  }
0x19: {  	s7 =	sld [smem:$0x3F9F]  }
0x1a: {  	s8 =	sadd.s32 $0xFFFFE003, lr  }
0x1b: {  	s9 =	sadd.s32 $0xFFFFFEF7, lr;
	s5 =	simm.s32 $0xFFFFFFFF;
	p2 =	slt.u32 s8, $0xFFFFF086  }
0x1c: {  	p1 =	slt.u32 s9, $0xF7A;
	s5 =	simm.s32 @!p2 $0x0  }
0x1d: {  	s5 =	simm.s32 @p1 $0x1;
	p0 =	seq.s32 s7, s2  }
0x1e: {  	s7 =	smul.u32 @!p0 $0xF7A, s2;
	p2 =	seq.s32 @!p0 s5, $0x0  }
0x1f: {  	s9 =	smul.u32 $0xF7A, s1;
	s8 =	simm.s32 @!p0 $0x1BF5;
	p2 =	por !p2, p0  }
0x20: {  	[sflag:s8] =	ssyncset.s32 @!p0 $0xFFFFF086;
	s6 =	sadd.s32 @!p0 s3, s7;
	s7 =	simm.s32 @!p0 $0x108  }
0x21: {  	s3 =	sadd.s32 s3, s9;
	s6 =	sadd.s32 @!p0 $0x88, s6;
	s7 =	simm.s32 @p2 $0x1082  }
0x22: {  	[simem:s7], [sflag:s8] =	dma.local @!p0 [hbm:s6], $0xF7A  }
0x23: {  	s9 =	sor.u32 $0xD0000000, s2;
	s6 =	simm.s32 $0x108;
	_ =	swait.ge @!p0 [sflag:s8], $0x0  }
0x24: {  	s3 =	sadd.s32 $0x88, s3;
	s6 =	simm.s32 @!p1 $0x1082;
	[sflag:s4] =	ssyncset.s32 $0xFFFFF086  }
0x25: {  	[simem:s6], [sflag:s4] =	dma.local [hbm:s3], $0xF7A  }
0x26: {  	[smem:$0x3F9F] =	sst s1;
	(tag) =	ssettag s2;
	_ =	strace s9  }
0x27: {  	s1 =	sld [smem:$0x3FAF]  }
0x28: {  	s2 =	sld [smem:$0x3FB0]  }
0x29: {  	s4 =	sld [smem:$0x3FB2]  }
0x2a: {  	p0 =	seq.s32 s5, $0x0;
	s5 =	sld [smem:$0x3FB3]  }
0x2b: {  	s6 =	sld [smem:$0x3FB4]  }
0x2c: {  	s7 =	sld [smem:$0x3FB5]  }
0x2d: {  	s3 =	simm.s32 $0x108;
	s8 =	sld [smem:$0x3FB6]  }
0x2e: {  	s3 =	simm.s32 @!p0 $0x1082;
	s9 =	sld [smem:$0x3FB7]  }
0x2f: {  	lr =	sadd.s32 s0, s3;
	s0 =	sld [smem:$0x3FAE]  }
0x30: {  	s3 =	sld [smem:$0x3FB1]  }
0x31: {  	[smem:$0x3FBA] =	sst s10  }
0x32: {  	s10 =	sld [smem:$0x3FB8];
	_ =	sdelay $0x3  }
0x33: {  	p0 =	seq.s32 s10, $0x1;
	s10 =	sld [smem:$0x3FBA];
	_ =	sdelay $0x3  }
0x34: {  	[smem:$0x3FBA] =	sst s10  }
0x35: {  	s10 =	sld [smem:$0x3FB9];
	_ =	sdelay $0x3  }
0x36: {  	p1 =	seq.s32 s10, $0x1;
	s10 =	sld [smem:$0x3FBA];
	_ =	sdelay $0x3  }
0x37: {  	[smem:$0x3FBA] =	sst s10  }
0x38: {  	s10 =	sld [smem:$0x3FBB]  }
0x39: {  	_ = 	snop;
	(pc) =	sbr.ind lr, $3  }
0x3a: {  	_ = 	snop  }
0x3b: {  	_ = 	snop  }
0x3c: {  	p2 =	seq.s32 s10, $0x1;
	s10 =	sld [smem:$0x3FBA]  }
0x3d: {  	_ =	shalt  }
0x3e: {  	_ =	shalt  }
0x3f: {  	_ =	shalt  }
0x40: {  	_ =	shalt  }
0x41: {  	_ =	shalt  }
0x42: {  	_ =	shalt  }
0x43: {  	_ =	shalt  }
0x44: {  	_ =	shalt  }
0x45: {  	_ =	shalt  }
0x46: {  	_ =	shalt  }
0x47: {  	_ =	shalt  }
0x48: {  	_ =	shalt  }
0x49: {  	_ =	shalt  }
0x4a: {  	_ =	shalt  }
0x4b: {  	_ =	shalt  }
0x4c: {  	_ =	shalt  }
0x4d: {  	_ =	shalt  }
0x4e: {  	_ =	shalt  }
0x4f: {  	_ =	shalt  }
0x50: {  	_ =	shalt  }
0x51: {  	_ =	shalt  }
0x52: {  	_ =	shalt  }
0x53: {  	_ =	shalt  }
0x54: {  	_ =	shalt  }
0x55: {  	_ =	shalt  }
0x56: {  	_ =	shalt  }
0x57: {  	_ =	shalt  }
0x58: {  	_ =	shalt  }
0x59: {  	_ =	shalt  }
0x5a: {  	_ =	shalt  }
0x5b: {  	_ =	shalt  }
0x5c: {  	_ =	shalt  }
0x5d: {  	_ =	shalt  }
0x5e: {  	_ =	shalt  }
0x5f: {  	_ =	shalt  }
0x60: {  	_ =	shalt  }
0x61: {  	_ =	shalt  }
0x62: {  	_ =	shalt  }
0x63: {  	_ =	shalt  }
0x64: {  	_ =	shalt  }
0x65: {  	_ =	shalt  }
0x66: {  	_ =	shalt  }
0x67: {  	_ =	shalt  }
0x68: {  	_ =	shalt  }
0x69: {  	_ =	shalt  }
0x6a: {  	_ =	shalt  }
0x6b: {  	_ =	shalt  }
0x6c: {  	_ =	shalt  }
0x6d: {  	_ =	shalt  }
0x6e: {  	_ =	shalt  }
0x6f: {  	_ =	shalt  }
0x70: {  	_ =	shalt  }
0x71: {  	_ =	shalt  }
0x72: {  	_ =	shalt  }
0x73: {  	_ =	shalt  }
0x74: {  	_ =	shalt  }
0x75: {  	_ =	shalt  }
0x76: {  	_ =	shalt  }
0x77: {  	_ =	shalt  }
0x78: {  	_ =	shalt  }
0x79: {  	_ =	shalt  }
0x7a: {  	_ =	shalt  }
0x7b: {  	_ =	shalt  }
0x7c: {  	_ =	shalt  }
0x7d: {  	_ =	shalt  }
0x7e: {  	_ =	shalt  }
0x7f: {  	_ =	shalt  }
0x80: {  	_ =	shalt  }
0x81: {  	_ =	shalt  }
0x82: {  	_ =	shalt  }
0x83: {  	_ =	shalt  }
0x84: {  	_ =	shalt  }
0x85: {  	_ =	shalt  }
0x86: {  	_ =	shalt  }
0x87: {  	_ =	shalt  }
.Lfunc_end0:
.L_simem_size_0:
called_computation_lowered:
.L_overlay_start_0:
0x88: {  	s2 =	sld [smem:$0x3FD9]  }
0x89: {  	s3 =	sld [smem:$0x3FFE];
	_ =	sdelay $0x1  }
0x8a: {  	s1 =	srdreg.scid  }
0x8b: {  	s0 =	sand.u32 $0x1, s1  }
0x8c: {  	s17 =	sshll.u32 s0, $0xA;
	s2 =	sadd.s32 s3, s2  }
0x8d: {  	s2 =	sadd.s32 s2, s17  }
0x8e: {  	[smem:$0x3FC6] =	sst s2  }
0x8f: {  	_ = 	snop  }
0x90: {  	s2 =	sld [smem:$0x3FC9]  }
0x91: {  	s18 =	sld [smem:$0x3FD0];
	(tm) =	ssettm $0x1  }
0x92: {  	s4 =	sld [smem:$0x3FFB];
	_ =	sdelay $0x3  }
0x93: {  	_ =	strace s4  }
0x94: {  	s4 =	sld [smem:$0x3FFC];
	_ =	sdelay $0x3  }
0x95: {  	_ =	strace s4  }
0x96: {  	s4 =	sld [smem:$0x3FFD];
	_ =	sdelay $0x3  }
0x97: {  	_ =	strace s4  }
0x98: {  	_ =	strace $0x8FFFFFFF  }
0x99: {  	s19 =	sld [smem:$0x3FDB];
	_ =	sdelay $0x1  }
0x9a: {  	s5 =	simm.s32 $_scs_section_size  }
0x9b: {  	s6 =	simm.s32 $_size__tile_overlayer_lowered;
	s7 =	simm.s32 $_tile_overlayer_lowered  }
0x9c: {  	s22 =	simm.s32 $0x1BFF;
	s21 =	sshll.u32 s7, $0x1;
	s4 =	sadd.s32 s5, s19  }
0x9d: {  	s8 =	simm.s32 $0x0;
	s20 =	sshll.u32 s6, $0x1;
	s6 =	sadd.s32 s21, s4  }
0x9e: {  	[timem:s8], [sflag:s22] =	dma.local [hbm:s6], s20  }
0x9f: {  	_ =	swait.ge [sflag:s22], s20  }
0xa0: {  	s5 =	ssub.s32 $0x0, s20;
	[sflag:s22] =	ssyncset.done $0x0  }
0xa1: {  	[sflag:s22] =	ssyncadd.s32 s5;
	_ =	sdelay $0x1  }
0xa2: {  	s23 =	simm.s32 $0x1B8B  }
0xa3: {  	_ =	swait.ge [sflag:s23], $0x1  }
0xa4: {  	[sflag:s23] =	ssyncset.done $0x0  }
0xa5: {  	s25 =	simm.s32 $0x1B8E;
	s24 =	sld [smem:$0x3FFE];
	[sflag:s23] =	ssyncadd.s32 $0xFFFFFFFF  }
0xa6: {  	s26 =	simm.s32 $execute0_lowered;
	[smem:$0x3FD2] =	sst s25  }
0xa7: {  	s6 =	sshll.u32 s26, $0x1;
	_ =	strace $0x80000046;
	[dreg:$0x1] =	wrdreg $0xFFFFFFFF  }
0xa8: {  	s28 =	simm.s32 $_size_execute0_lowered;
	s4 =	sadd.s32 s4, s6;
	[dreg:$0x0] =	wrdreg $0x0  }
0xa9: {  	s6 =	sshll.u32 s28, $0x1;
	[dreg:$0x2] =	wrdreg s4  }
0xaa: {  	[dreg:$0x3] =	wrdreg s6  }
0xab: {  	[dreg:$0x4] =	wrdreg $0xC0  }
0xac: {  	_ =	task [dreg:s8], $0x5FFFF  }
0xad: {  	[dreg:$0x1] =	wrdreg $0xFFFFFFFF  }
0xae: {  	[dreg:$0x0] =	wrdreg $0x60  }
0xaf: {  	[dreg:$0x2] =	wrdreg s2  }
0xb0: {  	[dreg:$0x3] =	wrdreg s18  }
0xb1: {  	[dreg:$0x4] =	wrdreg s24  }
0xb2: {  	[dreg:$0x5] =	wrdreg $0x9  }
0xb3: {  	_ =	task.clear_ibuf [dreg:s8], $0x6FFFF;
	_ =	strace $0x90000046  }
0xb4: {  	s29 =	simm.s32 $0x9;
	_ =	strace $0x80000048  }
0xb5: {  	_ =	swait.ge [sflag:s29], $0x1  }
0xb6: {  	[sflag:s29] =	ssyncadd.s32 $0xFFFFFFFF  }
0xb7: {  	_ =	strace $0x90000048  }
0xb8: {  	_ =	sfence  }
0xb9: {  	s30 =	sld [smem:$0x0];
	_ =	sdelay $0x2  }
0xba: {  	s31 =	sshll.u32 s1, $0xD;
	s1 =	sshrl.u32 s1, $0x2  }
0xbb: {  	s3 =	sand.u32 $0x4000, s31;
	s1 =	sadd.s32 s1, s30  }
0xbc: {  	s0 =	sor.u32 s3, s0;
	s1 =	sshll.u32 s1, $0x11  }
0xbd: {  	s0 =	sor.u32 s1, s0  }
0xbe: {  	s0 =	sadd.s32 $0x8F2B, s0  }
0xbf: {  	[sflag:s0] =	ssyncadd.remote.s32 $0x1  }
0xc0: {  	_ =	sfence.sel $0xFFFF  }
0xc1: {  	[dreg:$0x0] =	wrdreg $0xFFFFFFFF;
	(pc) =	sbr.abs _section_cstart, $3  }
0xc2: {  	[dreg:$0x1] =	wrdreg $0xFFFFFFFF  }
0xc3: {  	_ =	task.clear_ibuf [dreg:s8], $0x2FFFF;
	_ =	strace $0x9FFFFFFF  }
0xc4: {  	(tm) =	ssettm $0x7FFFFFFF  }
0xc5: {  	_ =	shalt  }
tec
execute0_lowered:
.L_overlay_start_1:
0x0: {  	(tag) =	ssettag $0x1  }
0x1: {  	v0 =	vimm.s32 $0xEDCBA987;
	s0 =	srdreg.scid;
	s7 =	stileid.u32;
	v1 =	vimm.s32 $0x65432100;
	v3 =	vimm.s32 $0xDCBA9876  }
0x2: {  	s1 =	rddreg [dreg:$0x0];
	v2 =	vimm.s32 $0x54321000;
	s5 =	simm.s32 $0x0;
	v4 =	vimm.s32 $0xBA987654;
	v5 =	vimm.s32 $0x32100000;
	s14 =	simm.s32 $0x14580  }
0x3: {  	v6 =	vimm.s32 $0xE40000;
	vm0 =	vmmov $0x3;
	s15 =	simm.s32 $0x14280;
	vm1 =	vmmov $0xf;
	s0 =	sand.u32 $0x1, s0;
	s2 =	sshll.u32 s7, $0x1  }
0x4: {  	s16 =	simm.s32 $0x6400;
	s17 =	simm.s32 $0x1;
	v0 =	vunpack.c.l.s4.s8 v0;
	v1 =	vunpack.c.l.s4.s8 v1;
	v3 =	vunpack.c.l.s4.s8 v3;
	s2 =	sor.u32 s0, s2  }
0x5: {  	s19 =	simm.s32 $0x2;
	s20 =	simm.s32 $0x4;
	v2 =	vunpack.c.l.s4.s8 v2;
	v4 =	vunpack.c.l.s4.s8 v4;
	v5 =	vunpack.c.l.s4.s8 v5;
	s3 =	smul.u32 $0x500, s2  }
0x6: {  	s21 =	simm.s32 $0x10400;
	s24 =	simm.s32 $0x0;
	[smem:$0x7FF] =	sst s5;
	v6 =	vunpack.c.l.s2.s4 v6;
	v0 =	vunpack.c.0.s8.s32 v0;
	v3 =	vunpack.c.0.s8.s32 v3  }
0x7: {  	s30 =	sshrl.u32 s7, $0x2;
	s0 =	ssub.s32 $0x2, s0;
	v1 =	vunpack.c.0.s8.s32 v1;
	v2 =	vunpack.c.0.s8.s32 v2;
	v4 =	vunpack.c.0.s8.s32 v4;
	s4 =	sshrl.u32 s3, $0x3  }
0x8: {  	_ =	strace $0x80000047;
	s6 =	sshrl.u32 s0, $0x1;
	v5 =	vunpack.c.0.s8.s32 v5;
	v6 =	vunpack.c.l.s4.s8 v6;
	v3 =	vand.u32 $0xF, v3;
	s4 =	smul.u32 $0x280, s4  }
.Ltmp0:
0x9: {  	s0 =	ssub.s32 s0, s6;
	v0 =	vand.u32 $0xF, v0;
	s31 =	sor.u32 $0x50, s3;
	v2 =	vcombine.low v2, v3;
	v3 =	vand.u32 $0xF, v4;
	(pc) =	sbr.rel .LBB2_1-.Ltmp0, $4  }
0xa: {  	s8 =	smul.u32 $0x3C0000, s30;
	s0 =	smax.u32 s0, $0x1;
	v6 =	vunpack.c.0.s8.s32 v6;
	[dreg:$0x6] =	wrdreg s31;
	v3 =	vcombine.low v5, v3;
	v5 =	vimm.s32 $0x7060504  }
0xb: {  	vm2 =	vcmask $0x3F30;
	s2 =	sshll.u32 s2, $0x1;
	v0 =	vcombine.low v1, v0;
	[dreg:$0x7] =	wrdreg s0;
	s29 =	sadd.s32 s1, s4;
	v5 =	vunpack.c.0.s8.s32 v5  }
0xc: {  	s9 =	sand.u32 $0xE, s2;
	v1 =	vimm.s32 $0x0;
	v4 =	vlaneseq.u32;
	v6 =	vand.u32 $0x3, v6;
	[dreg:$0x4] =	wrdreg s29;
	s6 =	sadd.s32 $0xC80, s29  }
0xd: {  	s2 =	simm.s32 $0x0;
	s11 =	sor.u32 $0x78, s3;
	[dreg:$0x5] =	wrdreg s6;
	v5 =	vsel vm2, v5, v6;
	vm2 =	vmmov $0xff;
	v6 =	vimm.s32 $0xF  }
.LBB2_14:
0xe: {  	s0 =	simm.s32 $0x3  }
0xf: {  	_ =	swait.ge [sflag:s0], $0x3C00  }
0x10: {  	[sflag:s0] =	ssyncset.done $0x0  }
0x11: {  	[sflag:s0] =	ssyncadd.s32 $0xFFFFC400  }
0x12: {  	_ =	swait.ge [sflag:s20], $0x3C00  }
0x13: {  	s2 =	rddreg [dreg:$0x8]  }
0x14: {  	s31 =	rddreg [dreg:$0x7];
	s2 =	sadd.s32 $0x1, s2  }
0x15: {  	p0 =	sne.s32 s2, s31  }
.Ltmp1:
0x16: {  	_ = 	snop;
	(pc) =	sbr.rel @!p0 .LBB2_15-.Ltmp1, $3  }
0x17: {  	_ =	sdelay $0x1  }
0x18: {  	[sflag:s20] =	ssyncset.done $0x0  }
0x19: {  	[sflag:s20] =	ssyncadd.s32 $0xFFFFC400  }
.LBB2_1:
0x1a: {  	[dreg:$0x8] =	wrdreg s2  }
0x1b: {  	s0 =	simm.s32 $0x14000;
	s30 =	rddreg [dreg:$0x1];
	s31 =	simm.s32 $0x5  }
0x1c: {  	[tilespmem:s0], [sflag:$0x5] =	stream.linear.gather [hbm4b:s30+s5], $0x280, $0x38;
	[tilespmem:$0x14600] =	vst v63  }
0x1d: {  	_ =	swait.ge [sflag:s31], $0x280  }
0x1e: {  	[sflag:s31] =	ssyncset.done $0x0  }
0x1f: {  	[sflag:s31] =	ssyncadd.s32 $0xFFFFFD80  }
0x20: {  	[tilespmem:$0x14280] =	vst v1  }
0x21: {  	[tilespmem:$0x14290] =	vst v1  }
0x22: {  	[tilespmem:$0x142A0] =	vst v1  }
0x23: {  	[tilespmem:$0x142B0] =	vst v1  }
0x24: {  	[tilespmem:$0x142C0] =	vst v1  }
0x25: {  	[tilespmem:$0x142D0] =	vst v1  }
0x26: {  	[tilespmem:$0x142E0] =	vst v1  }
0x27: {  	[tilespmem:$0x142F0] =	vst v1  }
0x28: {  	[tilespmem:$0x14300] =	vst v1  }
0x29: {  	[tilespmem:$0x14310] =	vst v1  }
0x2a: {  	[tilespmem:$0x14320] =	vst v1  }
0x2b: {  	[tilespmem:$0x14330] =	vst v1  }
0x2c: {  	[tilespmem:$0x14340] =	vst v1  }
0x2d: {  	[tilespmem:$0x14350] =	vst v1  }
0x2e: {  	[tilespmem:$0x14360] =	vst v1  }
0x2f: {  	[tilespmem:$0x14370] =	vst v1  }
0x30: {  	[tilespmem:$0x14380] =	vst v1  }
0x31: {  	[tilespmem:$0x14390] =	vst v1  }
0x32: {  	[tilespmem:$0x143A0] =	vst v1  }
0x33: {  	[tilespmem:$0x143B0] =	vst v1  }
0x34: {  	[tilespmem:$0x143C0] =	vst v1  }
0x35: {  	[tilespmem:$0x143D0] =	vst v1  }
0x36: {  	[tilespmem:$0x143E0] =	vst v1  }
0x37: {  	[tilespmem:$0x143F0] =	vst v1  }
0x38: {  	[tilespmem:$0x14400] =	vst v1  }
0x39: {  	[tilespmem:$0x14410] =	vst v1  }
0x3a: {  	[tilespmem:$0x14420] =	vst v1  }
0x3b: {  	[tilespmem:$0x14430] =	vst v1  }
0x3c: {  	[tilespmem:$0x14440] =	vst v1  }
0x3d: {  	[tilespmem:$0x14450] =	vst v1  }
0x3e: {  	[tilespmem:$0x14460] =	vst v1  }
0x3f: {  	[tilespmem:$0x14470] =	vst v1  }
0x40: {  	[tilespmem:$0x14480] =	vst v1  }
0x41: {  	[tilespmem:$0x14490] =	vst v1  }
0x42: {  	[tilespmem:$0x144A0] =	vst v1  }
0x43: {  	[tilespmem:$0x144B0] =	vst v1  }
0x44: {  	[tilespmem:$0x144C0] =	vst v1  }
0x45: {  	[tilespmem:$0x144D0] =	vst v1  }
0x46: {  	[tilespmem:$0x144E0] =	vst v1  }
0x47: {  	[tilespmem:$0x144F0] =	vst v1  }
0x48: {  	[tilespmem:$0x14500] =	vst v1  }
0x49: {  	v7 =	vld [tilespmem:s0+$0x0];
	_ =	sdelay $0x4  }
0x4a: {  	vm4 =	vne.s32 v7, $0x0  }
0x4b: {  	v7 =	vsel vm4, $0x1, v1  }
0x4c: {  	[tilespmem:$0x14580] =	vst v7  }
0x4d: {  	v8 =	vld.idx.msk [tilespmem:v0+s14+$0x0], $0xffff;
	_ =	sdelay $0x3  }
0x4e: {  	vm3 =	veq.s32 v4, $0x0  }
0x4f: {  	v8 =	vsel vm3, $0x0, v8  }
0x50: {  	v7 =	vadd.s32 v7, v8  }
0x51: {  	[tilespmem:$0x14580] =	vst v7  }
0x52: {  	v8 =	vld.idx.msk [tilespmem:v2+s14+$0x0], $0xffff;
	_ =	sdelay $0x4  }
0x53: {  	v8 =	vsel vm0, $0x0, v8  }
0x54: {  	v7 =	vadd.s32 v7, v8  }
0x55: {  	[tilespmem:$0x14580] =	vst v7  }
0x56: {  	v8 =	vld.idx.msk [tilespmem:v3+s14+$0x0], $0xffff;
	_ =	sdelay $0x4  }
0x57: {  	v8 =	vsel vm1, $0x0, v8  }
0x58: {  	v7 =	vadd.s32 v7, v8  }
0x59: {  	[tilespmem:$0x14580] =	vst v7  }
0x5a: {  	v8 =	vld.idx.msk [tilespmem:v5+s14+$0x0], $0xffff;
	_ =	sdelay $0x4  }
0x5b: {  	v8 =	vsel vm2, $0x0, v8  }
0x5c: {  	v7 =	vadd.s32 v7, v8  }
0x5d: {  	v8 =	vadd.s32 v7, v1  }
0x5e: {  	[tilespmem:$0x14580] =	vst v7;
	v9 =	vadd.s32 $0xFFFFFFFF, v8  }
0x5f: {  	v8 =	vld.idx.msk [tilespmem:v6+s14+$0x0], $0xffff;
	_ =	sdelay $0x2  }
0x60: {  	v7 =	vor.u32 s5, v4  }
0x61: {  	s2 =	simm.s32 $0x20;
	s3 =	simm.s32 $0x14010;
	s0 =	simm.s32 $0x10;
	[tilespmem:v9+s15+$0x0] =	vst.idx.msk vm4, v7;
	v7 =	vimm.s32 $0x0  }
.LBB2_2:
0x62: {  	p0 =	sne.s32 s2, $0x270;
	v9 =	vld [tilespmem:s3+$0x0];
	v7 =	vadd.s32 v7, v8;
	s4 =	smov.u32 s2;
	s2 =	sadd.s32 $0x10, s2  }
0x63: {  	_ =	sdelay $0x3  }
0x64: {  	vm4 =	vne.s32 v9, $0x0  }
0x65: {  	v8 =	vsel vm4, $0x1, v1  }
0x66: {  	[tilespmem:$0x14580] =	vst v8  }
0x67: {  	v9 =	vld.idx.msk [tilespmem:v0+s14+$0x0], $0xffff;
	_ =	sdelay $0x5  }
0x68: {  	v9 =	vsel vm3, $0x0, v9  }
0x69: {  	v8 =	vadd.s32 v8, v9  }
0x6a: {  	[tilespmem:$0x14580] =	vst v8  }
0x6b: {  	v9 =	vld.idx.msk [tilespmem:v2+s14+$0x0], $0xffff;
	_ =	sdelay $0x5  }
0x6c: {  	v9 =	vsel vm0, $0x0, v9  }
0x6d: {  	v8 =	vadd.s32 v8, v9  }
0x6e: {  	[tilespmem:$0x14580] =	vst v8  }
0x6f: {  	v9 =	vld.idx.msk [tilespmem:v3+s14+$0x0], $0xffff;
	_ =	sdelay $0x5  }
0x70: {  	v9 =	vsel vm1, $0x0, v9  }
0x71: {  	v8 =	vadd.s32 v8, v9  }
0x72: {  	[tilespmem:$0x14580] =	vst v8  }
0x73: {  	v9 =	vld.idx.msk [tilespmem:v5+s14+$0x0], $0xffff;
	_ =	sdelay $0x5  }
0x74: {  	v9 =	vsel vm2, $0x0, v9  }
0x75: {  	v8 =	vadd.s32 v8, v9  }
0x76: {  	v9 =	vadd.s32 v8, v7;
	[tilespmem:$0x14580] =	vst v8  }
0x77: {  	v9 =	vadd.s32 $0xFFFFFFFF, v9;
	v8 =	vld.idx.msk [tilespmem:v6+s14+$0x0], $0xffff  }
.Ltmp2:
0x78: {  	(pc) =	sbr.rel @p0 .LBB2_2-.Ltmp2, $3  }
0x79: {  	_ =	sdelay $0x1  }
0x7a: {  	v10 =	vor.u32 s0, v4;
	s0 =	smov.u32 s4  }
0x7b: {  	s3 =	sadd.s32 $0x10, s3;
	[tilespmem:v9+s15+$0x0] =	vst.idx.msk vm4, v10  }
0x7c: {  	v9 =	vld [tilespmem:s3+$0x0];
	_ =	sdelay $0x4  }
0x7d: {  	vm3 =	vne.s32 v9, $0x0  }
0x7e: {  	v9 =	vsel vm3, $0x1, v1  }
0x7f: {  	[tilespmem:$0x14580] =	vst v9  }
0x80: {  	v10 =	vld.idx.msk [tilespmem:v0+s14+$0x0], $0xffff;
	_ =	sdelay $0x3  }
0x81: {  	vm4 =	veq.s32 v4, $0x0  }
0x82: {  	v10 =	vsel vm4, $0x0, v10  }
0x83: {  	v9 =	vadd.s32 v9, v10  }
0x84: {  	[tilespmem:$0x14580] =	vst v9  }
0x85: {  	v10 =	vld.idx.msk [tilespmem:v2+s14+$0x0], $0xffff;
	_ =	sdelay $0x4  }
0x86: {  	v10 =	vsel vm0, $0x0, v10  }
0x87: {  	v9 =	vadd.s32 v9, v10  }
0x88: {  	[tilespmem:$0x14580] =	vst v9  }
0x89: {  	v10 =	vld.idx.msk [tilespmem:v3+s14+$0x0], $0xffff;
	_ =	sdelay $0x4  }
0x8a: {  	v10 =	vsel vm1, $0x0, v10  }
0x8b: {  	v9 =	vadd.s32 v9, v10  }
0x8c: {  	[tilespmem:$0x14580] =	vst v9  }
0x8d: {  	v10 =	vld.idx.msk [tilespmem:v5+s14+$0x0], $0xffff;
	_ =	sdelay $0x4  }
0x8e: {  	v10 =	vsel vm2, $0x0, v10  }
0x8f: {  	v7 =	vadd.s32 v7, v8;
	v8 =	vadd.s32 v9, v10  }
0x90: {  	v7 =	vadd.s32 v8, v7  }
0x91: {  	v7 =	vadd.s32 $0xFFFFFFFF, v7;
	_ =	sdelay $0x3  }
0x92: {  	[tilespmem:$0x14580] =	vst v8;
	v8 =	vor.u32 s0, v4  }
0x93: {  	[tilespmem:v7+s15+$0x0] =	vst.idx.msk vm3, v8  }
0x94: {  	v7 =	vld [tilespmem:$0x14280]  }
0x95: {  	v8 =	vld [tilespmem:$0x14290]  }
0x96: {  	v10 =	vld [tilespmem:$0x142B0]  }
0x97: {  	v14 =	vld [tilespmem:$0x142D0]  }
0x98: {  	v15 =	vld [tilespmem:$0x142E0]  }
0x99: {  	v9 =	vld [tilespmem:$0x142A0]  }
0x9a: {  	v12 =	vand.u32 $0x7F, v7;
	v7 =	vshll.u32 v7, $0x3  }
0x9b: {  	v11 =	vld [tilespmem:$0x142C0];
	v13 =	vshll.u32 v8, $0x3;
	v8 =	vand.u32 $0x7F, v8;
	v16 =	vshll.u32 v10, $0x3  }
0x9c: {  	v10 =	vand.u32 $0x7F, v10;
	v18 =	vshll.u32 v14, $0x3;
	v7 =	vand.u32 $0xFFFFFC00, v7  }
0x9d: {  	v19 =	vand.u32 $0x7F, v15;
	v13 =	vand.u32 $0xFFFFFC00, v13;
	v7 =	vor.u32 v12, v7  }
0x9e: {  	v8 =	vor.u32 v8, v13;
	v12 =	vld [tilespmem:$0x142F0];
	v13 =	vand.u32 $0x7F, v9;
	v9 =	vshll.u32 v9, $0x3  }
0x9f: {  	v17 =	vld [tilespmem:$0x14300];
	v15 =	vshll.u32 v15, $0x3;
	v16 =	vand.u32 $0xFFFFFC00, v16;
	v9 =	vand.u32 $0xFFFFFC00, v9  }
0xa0: {  	v10 =	vor.u32 v10, v16;
	v16 =	vld [tilespmem:$0x14310];
	v9 =	vor.u32 v13, v9;
	v13 =	vshll.u32 v11, $0x3  }
0xa1: {  	v15 =	vand.u32 $0xFFFFFC00, v15;
	v11 =	vand.u32 $0x7F, v11;
	v13 =	vand.u32 $0xFFFFFC00, v13  }
0xa2: {  	v11 =	vor.u32 v11, v13;
	v13 =	vand.u32 $0x7F, v14;
	v14 =	vand.u32 $0xFFFFFC00, v18;
	v18 =	vld [tilespmem:$0x14320]  }
0xa3: {  	v21 =	vld [tilespmem:$0x14330];
	v20 =	vshll.u32 v12, $0x3;
	v22 =	vand.u32 $0x7F, v12;
	v12 =	vor.u32 v13, v14  }
0xa4: {  	v13 =	vor.u32 v19, v15;
	v19 =	vld [tilespmem:$0x14350];
	v15 =	vand.u32 $0x7F, v17;
	v20 =	vand.u32 $0xFFFFFC00, v20  }
0xa5: {  	v23 =	vld [tilespmem:$0x14340];
	v17 =	vshll.u32 v17, $0x3;
	v14 =	vor.u32 v22, v20;
	v20 =	vshll.u32 v16, $0x3  }
0xa6: {  	v17 =	vand.u32 $0xFFFFFC00, v17;
	v16 =	vand.u32 $0x7F, v16;
	v20 =	vand.u32 $0xFFFFFC00, v20  }
0xa7: {  	v24 =	vld [tilespmem:$0x14370];
	v15 =	vor.u32 v15, v17;
	v16 =	vor.u32 v16, v20;
	v17 =	vshll.u32 v18, $0x3  }
0xa8: {  	v22 =	vld [tilespmem:$0x14360];
	v18 =	vand.u32 $0x7F, v18;
	v20 =	vshll.u32 v21, $0x3;
	v17 =	vand.u32 $0xFFFFFC00, v17  }
0xa9: {  	v25 =	vld [tilespmem:$0x14380];
	v20 =	vand.u32 $0xFFFFFC00, v20;
	v26 =	vshll.u32 v19, $0x3;
	v17 =	vor.u32 v18, v17  }
0xaa: {  	v29 =	vld [tilespmem:$0x143A0];
	v18 =	vand.u32 $0x7F, v21;
	v21 =	vand.u32 $0x7F, v23;
	v23 =	vshll.u32 v23, $0x3  }
0xab: {  	v27 =	vld [tilespmem:$0x14390];
	v28 =	vand.u32 $0x7F, v19;
	v26 =	vand.u32 $0xFFFFFC00, v26;
	v23 =	vand.u32 $0xFFFFFC00, v23  }
0xac: {  	v18 =	vor.u32 v18, v20;
	v20 =	vor.u32 v28, v26;
	v19 =	vor.u32 v21, v23  }
0xad: {  	v26 =	vld [tilespmem:$0x143B0];
	v21 =	vand.u32 $0x7F, v22;
	v22 =	vshll.u32 v22, $0x3;
	v23 =	vshll.u32 v24, $0x3  }
0xae: {  	v24 =	vand.u32 $0x7F, v24;
	v22 =	vand.u32 $0xFFFFFC00, v22;
	v23 =	vand.u32 $0xFFFFFC00, v23  }
0xaf: {  	v62 =	vshll.u32 v29, $0x3;
	v21 =	vor.u32 v21, v22;
	v22 =	vor.u32 v24, v23  }
0xb0: {  	v23 =	vshll.u32 v25, $0x3;
	v24 =	vand.u32 $0x7F, v25;
	v25 =	vshll.u32 v27, $0x3  }
0xb1: {  	s30 =	rddreg [dreg:$0x4];
	v28 =	vand.u32 $0xFFFFFC00, v62;
	v23 =	vand.u32 $0xFFFFFC00, v23;
	v25 =	vand.u32 $0xFFFFFC00, v25  }
0xb2: {  	[tilespmem:s24], [sflag:$0x1] =	stream.linear.gather [hbm4b:s30+s24], $0x6400, $0x38;
	v23 =	vor.u32 v24, v23;
	v24 =	vand.u32 $0x7F, v27;
	v63 =	vshll.u32 v26, $0x3;
	[tilespmem:$0x14600] =	vst v63  }
0xb3: {  	s31 =	rddreg [dreg:$0x5];
	s25 =	simm.s32 $0x0;
	v27 =	vand.u32 $0x7F, v29;
	v26 =	vand.u32 $0x7F, v26;
	v29 =	vand.u32 $0xFFFFFC00, v63  }
0xb4: {  	[tilespmem:s16], [sflag:$0x2] =	stream.linear.gather [hbm4b:s31+s24], $0x6400, $0x38;
	v24 =	vor.u32 v24, v25;
	v25 =	vor.u32 v27, v28;
	v26 =	vor.u32 v26, v29;
	[tilespmem:$0x14600] =	vst v63  }
.LBB2_4:
0xb5: {  	v27 =	vmov s24  }
0xb6: {  	v28 =	vshrl.u32 v27, $0x3  }
0xb7: {  	v40 =	vmul.u32 $0x1400, v28  }
0xb8: {  	v27 =	vshll.u32 v27, $0x7  }
0xb9: {  	_ =	swait.ge [sflag:s17], $0x6400;
	v39 =	vand.u32 $0x380, v27;
	v27 =	vadd.s32 v7, v40  }
0xba: {  	p0 =	seq.s32 s25, $0x0;
	[sflag:s17] =	ssyncset.done $0x0;
	v27 =	vor.u32 v39, v27  }
0xbb: {  	s0 =	simm.s32 @!p0 $0x3;
	[sflag:s17] =	ssyncadd.s32 $0xFFFF9C00  }
0xbc: {  	_ =	swait.ge @!p0 [sflag:s0], $0x3C00  }
0xbd: {  	[sflag:s0] =	ssyncset.done @!p0 $0x0  }
0xbe: {  	[sflag:s0] =	ssyncadd.s32 @!p0 $0xFFFFC400  }
0xbf: {  	s6 =	simm.s32 $0x0;
	v28 =	vadd.s32 v8, v40;
	v27 =	vld.idx.msk [tilespmem:v27+s5+$0x0], $0xffff  }
0xc0: {  	s0 =	smul.u32 $0x3000, s6;
	v28 =	vor.u32 v39, v28;
	_ =	sdelay $0x1  }
0xc1: {  	s2 =	sand.u32 $0x380, s24;
	s0 =	sshra.s32 s0, $0x2  }
0xc2: {  	s31 =	sor.u32 s2, s0  }
0xc3: {  	[tilespmem:s31+$0xC800] =	vst v27  }
0xc4: {  	s7 =	simm.s32 $0x1;
	v27 =	vld.idx.msk [tilespmem:v28+s5+$0x0], $0xffff;
	v28 =	vadd.s32 v9, v40  }
0xc5: {  	v30 =	vmov s7;
	v28 =	vor.u32 v39, v28  }
0xc6: {  	v29 =	vshrl.u32 v30, $0x3  }
0xc7: {  	v29 =	vmul.u32 $0x1400, v29  }
0xc8: {  	v30 =	vshll.u32 v30, $0x7  }
0xc9: {  	v30 =	vand.u32 $0x380, v30;
	[tilespmem:s31+$0xC810] =	vst v27;
	v27 =	vadd.s32 v7, v29  }
0xca: {  	v31 =	vadd.s32 v10, v40;
	v28 =	vld.idx.msk [tilespmem:v28+s5+$0x0], $0xffff;
	v27 =	vor.u32 v30, v27  }
0xcb: {  	v31 =	vor.u32 v39, v31;
	_ =	sdelay $0x3  }
0xcc: {  	s10 =	simm.s32 $0x0;
	v27 =	vld.idx.msk [tilespmem:v27+s5+$0x0], $0xffff;
	[tilespmem:s31+$0xC820] =	vst v28;
	v28 =	vadd.s32 v8, v29  }
0xcd: {  	v32 =	vadd.s32 v11, v40;
	s0 =	smul.u32 $0x3000, s10;
	v31 =	vld.idx.msk [tilespmem:v31+s5+$0x0], $0xffff;
	v28 =	vor.u32 v30, v28  }
0xce: {  	s12 =	simm.s32 $0x80;
	v32 =	vor.u32 v39, v32  }
0xcf: {  	s2 =	sand.u32 $0x380, s12;
	s0 =	sshra.s32 s0, $0x2  }
0xd0: {  	s28 =	sor.u32 s2, s0  }
0xd1: {  	[tilespmem:s28+$0xC800] =	vst v27  }
0xd2: {  	s13 =	simm.s32 $0x2;
	v27 =	vadd.s32 v9, v29;
	v28 =	vld.idx.msk [tilespmem:v28+s5+$0x0], $0xffff;
	[tilespmem:s31+$0xC830] =	vst v31  }
0xd3: {  	v33 =	vmov s13;
	v37 =	vor.u32 v30, v27;
	v27 =	vadd.s32 v12, v40;
	v31 =	vld.idx.msk [tilespmem:v32+s5+$0x0], $0xffff  }
0xd4: {  	v34 =	vor.u32 v39, v27;
	v27 =	vshrl.u32 v33, $0x3  }
0xd5: {  	v27 =	vmul.u32 $0x1400, v27  }
0xd6: {  	v33 =	vshll.u32 v33, $0x7  }
0xd7: {  	v38 =	vadd.s32 v7, v27;
	[tilespmem:s28+$0xC810] =	vst v28;
	v28 =	vand.u32 $0x380, v33  }
0xd8: {  	v41 =	vadd.s32 v10, v29;
	v32 =	vld.idx.msk [tilespmem:v37+s5+$0x0], $0xffff;
	[tilespmem:s31+$0xC840] =	vst v31;
	v31 =	vor.u32 v28, v38  }
0xd9: {  	v35 =	vadd.s32 v13, v40;
	v33 =	vor.u32 v30, v41;
	v34 =	vld.idx.msk [tilespmem:v34+s5+$0x0], $0xffff  }
0xda: {  	v35 =	vor.u32 v39, v35;
	_ =	sdelay $0x2  }
0xdb: {  	s18 =	simm.s32 $0x0;
	v42 =	vadd.s32 v8, v27;
	v31 =	vld.idx.msk [tilespmem:v31+s5+$0x0], $0xffff;
	[tilespmem:s28+$0xC820] =	vst v32  }
0xdc: {  	v43 =	vadd.s32 v11, v29;
	s0 =	smul.u32 $0x3000, s18;
	v32 =	vor.u32 v28, v42;
	v33 =	vld.idx.msk [tilespmem:v33+s5+$0x0], $0xffff;
	[tilespmem:s31+$0xC850] =	vst v34  }
0xdd: {  	s22 =	simm.s32 $0x100;
	v36 =	vadd.s32 v14, v40;
	v34 =	vor.u32 v30, v43;
	v35 =	vld.idx.msk [tilespmem:v35+s5+$0x0], $0xffff  }
0xde: {  	v36 =	vor.u32 v39, v36;
	s2 =	sand.u32 $0x380, s22;
	s0 =	sshra.s32 s0, $0x2  }
0xdf: {  	s26 =	sor.u32 s2, s0  }
0xe0: {  	[tilespmem:s26+$0xC800] =	vst v31  }
0xe1: {  	s23 =	simm.s32 $0x3;
	v31 =	vadd.s32 v9, v27;
	v32 =	vld.idx.msk [tilespmem:v32+s5+$0x0], $0xffff;
	[tilespmem:s28+$0xC830] =	vst v33  }
0xe2: {  	v45 =	vmov s23;
	v44 =	vor.u32 v28, v31;
	v31 =	vadd.s32 v12, v29;
	v33 =	vld.idx.msk [tilespmem:v34+s5+$0x0], $0xffff;
	[tilespmem:s31+$0xC860] =	vst v35  }
0xe3: {  	v38 =	vshrl.u32 v45, $0x3;
	v37 =	vor.u32 v30, v31;
	v31 =	vadd.s32 v15, v40;
	v36 =	vld.idx.msk [tilespmem:v36+s5+$0x0], $0xffff  }
0xe4: {  	v41 =	vor.u32 v39, v31;
	v31 =	vmul.u32 $0x1400, v38  }
0xe5: {  	v35 =	vshll.u32 v45, $0x7  }
0xe6: {  	v46 =	vadd.s32 v7, v31;
	[tilespmem:s26+$0xC810] =	vst v32;
	v32 =	vand.u32 $0x380, v35  }
0xe7: {  	v48 =	vadd.s32 v10, v27;
	v34 =	vld.idx.msk [tilespmem:v44+s5+$0x0], $0xffff;
	[tilespmem:s28+$0xC840] =	vst v33;
	v47 =	vor.u32 v32, v46  }
0xe8: {  	v49 =	vadd.s32 v13, v29;
	v35 =	vor.u32 v28, v48;
	v37 =	vld.idx.msk [tilespmem:v37+s5+$0x0], $0xffff;
	[tilespmem:s31+$0xC870] =	vst v36  }
0xe9: {  	v51 =	vadd.s32 v16, v40;
	v36 =	vor.u32 v30, v49;
	v50 =	vld.idx.msk [tilespmem:v41+s5+$0x0], $0xffff  }
0xea: {  	v41 =	vor.u32 v39, v51;
	_ =	sdelay $0x1  }
0xeb: {  	s2 =	simm.s32 $0x0;
	v52 =	vadd.s32 v8, v31;
	v33 =	vld.idx.msk [tilespmem:v47+s5+$0x0], $0xffff;
	[tilespmem:s26+$0xC820] =	vst v34  }
0xec: {  	s0 =	smul.u32 $0x3000, s2;
	v53 =	vadd.s32 v11, v27;
	v34 =	vor.u32 v32, v52;
	v35 =	vld.idx.msk [tilespmem:v35+s5+$0x0], $0xffff;
	[tilespmem:s28+$0xC850] =	vst v37  }
0xed: {  	s3 =	simm.s32 $0x180;
	v54 =	vadd.s32 v14, v29;
	v37 =	vor.u32 v28, v53;
	v36 =	vld.idx.msk [tilespmem:v36+s5+$0x0], $0xffff;
	[tilespmem:s31+$0xCC00] =	vst v50  }
0xee: {  	s2 =	sand.u32 $0x380, s3;
	s0 =	sshra.s32 s0, $0x2;
	v42 =	vadd.s32 v17, v40;
	v38 =	vor.u32 v30, v54;
	v41 =	vld.idx.msk [tilespmem:v41+s5+$0x0], $0xffff  }
0xef: {  	s29 =	sor.u32 s2, s0;
	v42 =	vor.u32 v39, v42  }
0xf0: {  	[tilespmem:s29+$0xC800] =	vst v33  }
0xf1: {  	s4 =	simm.s32 $0x4;
	v55 =	vadd.s32 v9, v31;
	v34 =	vld.idx.msk [tilespmem:v34+s5+$0x0], $0xffff;
	[tilespmem:s26+$0xC830] =	vst v35  }
0xf2: {  	v58 =	vmov s4;
	v57 =	vadd.s32 v12, v27;
	v56 =	vor.u32 v32, v55;
	v35 =	vld.idx.msk [tilespmem:v37+s5+$0x0], $0xffff;
	[tilespmem:s28+$0xC860] =	vst v36  }
0xf3: {  	v60 =	vadd.s32 v15, v29;
	v59 =	vor.u32 v28, v57;
	v43 =	vshrl.u32 v58, $0x3;
	v38 =	vld.idx.msk [tilespmem:v38+s5+$0x0], $0xffff;
	[tilespmem:s31+$0xCC10] =	vst v41  }
0xf4: {  	v45 =	vadd.s32 v18, v40;
	v44 =	vor.u32 v30, v60;
	v33 =	vmul.u32 $0x1400, v43;
	v42 =	vld.idx.msk [tilespmem:v42+s5+$0x0], $0xffff  }
0xf5: {  	v61 =	vor.u32 v39, v45;
	v37 =	vshll.u32 v58, $0x7  }
0xf6: {  	v62 =	vadd.s32 v7, v33;
	[tilespmem:s29+$0xC810] =	vst v34;
	v34 =	vand.u32 $0x380, v37  }
0xf7: {  	v47 =	vadd.s32 v10, v31;
	v36 =	vld.idx.msk [tilespmem:v56+s5+$0x0], $0xffff;
	[tilespmem:s26+$0xC840] =	vst v35;
	v63 =	vor.u32 v34, v62  }
0xf8: {  	v48 =	vadd.s32 v13, v27;
	v37 =	vor.u32 v32, v47;
	v41 =	vld.idx.msk [tilespmem:v59+s5+$0x0], $0xffff;
	[tilespmem:s28+$0xC870] =	vst v38  }
0xf9: {  	v49 =	vadd.s32 v16, v29;
	v38 =	vor.u32 v28, v48;
	v44 =	vld.idx.msk [tilespmem:v44+s5+$0x0], $0xffff;
	[tilespmem:s31+$0xCC20] =	vst v42  }
0xfa: {  	v50 =	vadd.s32 v19, v40;
	v42 =	vor.u32 v30, v49;
	v43 =	vld.idx.msk [tilespmem:v61+s5+$0x0], $0xffff  }
0xfb: {  	v45 =	vor.u32 v39, v50  }
0xfc: {  	s6 =	simm.s32 $0x0;
	v51 =	vadd.s32 v8, v33;
	v35 =	vld.idx.msk [tilespmem:v63+s5+$0x0], $0xffff;
	[tilespmem:s29+$0xC820] =	vst v36  }
0xfd: {  	s0 =	smul.u32 $0x3000, s6;
	v52 =	vadd.s32 v11, v31;
	v36 =	vor.u32 v34, v51;
	v37 =	vld.idx.msk [tilespmem:v37+s5+$0x0], $0xffff;
	[tilespmem:s26+$0xC850] =	vst v41  }
0xfe: {  	s7 =	simm.s32 $0x200;
	v53 =	vadd.s32 v14, v27;
	v41 =	vor.u32 v32, v52;
	v38 =	vld.idx.msk [tilespmem:v38+s5+$0x0], $0xffff;
	[tilespmem:s28+$0xCC00] =	vst v44  }
0xff: {  	s2 =	sand.u32 $0x380, s7;
	s0 =	sshra.s32 s0, $0x2;
	v55 =	vadd.s32 v17, v29;
	v54 =	vor.u32 v28, v53;
	v42 =	vld.idx.msk [tilespmem:v42+s5+$0x0], $0xffff;
	[tilespmem:s31+$0xCC30] =	vst v43  }
0x100: {  	s30 =	sor.u32 s2, s0;
	v46 =	vadd.s32 v20, v40;
	v44 =	vor.u32 v30, v55;
	v45 =	vld.idx.msk [tilespmem:v45+s5+$0x0], $0xffff  }
0x101: {  	v46 =	vor.u32 v39, v46;
	[tilespmem:s30+$0xC800] =	vst v35  }
0x102: {  	s10 =	simm.s32 $0x5;
	v56 =	vadd.s32 v9, v33;
	v36 =	vld.idx.msk [tilespmem:v36+s5+$0x0], $0xffff;
	[tilespmem:s29+$0xC830] =	vst v37  }
0x103: {  	v58 =	vadd.s32 v12, v31;
	v57 =	vor.u32 v34, v56;
	v59 =	vmov s10;
	v37 =	vld.idx.msk [tilespmem:v41+s5+$0x0], $0xffff;
	[tilespmem:s26+$0xC860] =	vst v38  }
0x104: {  	v60 =	vor.u32 v32, v58;
	v47 =	vshrl.u32 v59, $0x3;
	v61 =	vadd.s32 v15, v27;
	v43 =	vld.idx.msk [tilespmem:v54+s5+$0x0], $0xffff;
	[tilespmem:s28+$0xCC10] =	vst v42  }
0x105: {  	v48 =	vadd.s32 v18, v29;
	v62 =	vor.u32 v28, v61;
	v35 =	vmul.u32 $0x1400, v47;
	v44 =	vld.idx.msk [tilespmem:v44+s5+$0x0], $0xffff;
	[tilespmem:s31+$0xCC40] =	vst v45  }
0x106: {  	v63 =	vor.u32 v30, v48;
	v52 =	vadd.s32 v21, v40;
	v41 =	vshll.u32 v59, $0x7;
	v46 =	vld.idx.msk [tilespmem:v46+s5+$0x0], $0xffff  }
0x107: {  	v48 =	vor.u32 v39, v52;
	v53 =	vadd.s32 v7, v35;
	[tilespmem:s30+$0xC810] =	vst v36;
	v36 =	vand.u32 $0x380, v41  }
0x108: {  	v55 =	vadd.s32 v10, v33;
	v38 =	vld.idx.msk [tilespmem:v57+s5+$0x0], $0xffff;
	[tilespmem:s29+$0xC840] =	vst v37;
	v54 =	vor.u32 v36, v53  }
0x109: {  	v56 =	vadd.s32 v13, v31;
	v41 =	vor.u32 v34, v55;
	v42 =	vld.idx.msk [tilespmem:v60+s5+$0x0], $0xffff;
	[tilespmem:s26+$0xC870] =	vst v43  }
0x10a: {  	v57 =	vadd.s32 v16, v27;
	v43 =	vor.u32 v32, v56;
	v45 =	vld.idx.msk [tilespmem:v62+s5+$0x0], $0xffff;
	[tilespmem:s28+$0xCC20] =	vst v44  }
0x10b: {  	v58 =	vadd.s32 v19, v29;
	v44 =	vor.u32 v28, v57;
	v47 =	vld.idx.msk [tilespmem:v63+s5+$0x0], $0xffff;
	[tilespmem:s31+$0xCC50] =	vst v46  }
0x10c: {  	v49 =	vadd.s32 v22, v40;
	v46 =	vor.u32 v30, v58;
	v48 =	vld.idx.msk [tilespmem:v48+s5+$0x0], $0xffff  }
0x10d: {  	s12 =	simm.s32 $0x0;
	v59 =	vor.u32 v39, v49;
	v60 =	vadd.s32 v8, v35;
	v37 =	vld.idx.msk [tilespmem:v54+s5+$0x0], $0xffff;
	[tilespmem:s30+$0xC820] =	vst v38  }
0x10e: {  	s0 =	smul.u32 $0x3000, s12;
	v61 =	vor.u32 v36, v60;
	v62 =	vadd.s32 v11, v33;
	v41 =	vld.idx.msk [tilespmem:v41+s5+$0x0], $0xffff;
	[tilespmem:s29+$0xC850] =	vst v42  }
0x10f: {  	s13 =	simm.s32 $0x280;
	v52 =	vadd.s32 v14, v31;
	v63 =	vor.u32 v34, v62;
	v43 =	vld.idx.msk [tilespmem:v43+s5+$0x0], $0xffff;
	[tilespmem:s26+$0xCC00] =	vst v45  }
0x110: {  	s2 =	sand.u32 $0x380, s13;
	s0 =	sshra.s32 s0, $0x2;
	v53 =	vor.u32 v32, v52;
	v54 =	vadd.s32 v17, v27;
	v44 =	vld.idx.msk [tilespmem:v44+s5+$0x0], $0xffff;
	[tilespmem:s28+$0xCC30] =	vst v47  }
0x111: {  	s3 =	sor.u32 s2, s0;
	v57 =	vadd.s32 v20, v29;
	v55 =	vor.u32 v28, v54;
	v46 =	vld.idx.msk [tilespmem:v46+s5+$0x0], $0xffff;
	[tilespmem:s31+$0xCC60] =	vst v48  }
0x112: {  	v58 =	vor.u32 v30, v57;
	v38 =	vld.idx.msk [tilespmem:v59+s5+$0x0], $0xffff;
	[tilespmem:s3+$0xC800] =	vst v37;
	v59 =	vadd.s32 v23, v40  }
0x113: {  	v56 =	vadd.s32 v9, v35;
	v42 =	vld.idx.msk [tilespmem:v61+s5+$0x0], $0xffff;
	[tilespmem:s30+$0xC830] =	vst v41;
	v60 =	vor.u32 v39, v59  }
0x114: {  	s18 =	simm.s32 $0x6;
	v57 =	vor.u32 v36, v56;
	v61 =	vadd.s32 v12, v33;
	v45 =	vld.idx.msk [tilespmem:v63+s5+$0x0], $0xffff;
	[tilespmem:s29+$0xC860] =	vst v43  }
0x115: {  	v50 =	vadd.s32 v15, v31;
	v62 =	vmov s18;
	v49 =	vor.u32 v34, v61;
	v47 =	vld.idx.msk [tilespmem:v53+s5+$0x0], $0xffff;
	[tilespmem:s26+$0xCC10] =	vst v44  }
0x116: {  	v50 =	vor.u32 v32, v50;
	v51 =	vadd.s32 v18, v27;
	v63 =	vshrl.u32 v62, $0x3;
	v48 =	vld.idx.msk [tilespmem:v55+s5+$0x0], $0xffff;
	[tilespmem:s28+$0xCC40] =	vst v46  }
0x117: {  	v54 =	vor.u32 v28, v51;
	v37 =	vmul.u32 $0x1400, v63;
	v52 =	vld.idx.msk [tilespmem:v58+s5+$0x0], $0xffff;
	[tilespmem:s31+$0xCC70] =	vst v38;
	v58 =	vadd.s32 v21, v29  }
0x118: {  	v59 =	vadd.s32 v24, v40;
	v44 =	vshll.u32 v62, $0x7;
	v41 =	vld.idx.msk [tilespmem:v60+s5+$0x0], $0xffff;
	[tilespmem:s3+$0xC810] =	vst v42;
	v42 =	vor.u32 v30, v58  }
0x119: {  	v61 =	vor.u32 v39, v59;
	v38 =	vand.u32 $0x380, v44;
	v60 =	vadd.s32 v7, v37;
	v43 =	vld.idx.msk [tilespmem:v57+s5+$0x0], $0xffff;
	[tilespmem:s30+$0xC840] =	vst v45  }
0x11a: {  	v62 =	vadd.s32 v10, v35;
	v44 =	vor.u32 v38, v60;
	v49 =	vld.idx.msk [tilespmem:v49+s5+$0x0], $0xffff;
	[tilespmem:s29+$0xC870] =	vst v47  }
0x11b: {  	v63 =	vor.u32 v36, v62;
	v55 =	vadd.s32 v13, v33;
	v50 =	vld.idx.msk [tilespmem:v50+s5+$0x0], $0xffff;
	[tilespmem:s26+$0xCC20] =	vst v48  }
0x11c: {  	v56 =	vor.u32 v34, v55;
	v57 =	vadd.s32 v16, v31;
	v46 =	vld.idx.msk [tilespmem:v54+s5+$0x0], $0xffff;
	[tilespmem:s28+$0xCC50] =	vst v52  }
0x11d: {  	v58 =	vadd.s32 v19, v27;
	v51 =	vor.u32 v32, v57;
	v42 =	vld.idx.msk [tilespmem:v42+s5+$0x0], $0xffff;
	[tilespmem:s31+$0xD000] =	vst v41  }
0x11e: {  	v59 =	vor.u32 v28, v58;
	v60 =	vadd.s32 v22, v29;
	v45 =	vld.idx.msk [tilespmem:v61+s5+$0x0], $0xffff  }
0x11f: {  	v44 =	vld.idx.msk [tilespmem:v44+s5+$0x0], $0xffff;
	[tilespmem:s3+$0xC820] =	vst v43;
	v43 =	vor.u32 v30, v60;
	v61 =	vadd.s32 v25, v40  }
0x120: {  	s22 =	simm.s32 $0x0;
	v53 =	vadd.s32 v8, v37;
	v47 =	vld.idx.msk [tilespmem:v63+s5+$0x0], $0xffff;
	[tilespmem:s30+$0xC850] =	vst v49;
	v49 =	vor.u32 v39, v61  }
0x121: {  	s0 =	smul.u32 $0x3000, s22;
	v62 =	vadd.s32 v11, v35;
	v52 =	vor.u32 v38, v53;
	v54 =	vld.idx.msk [tilespmem:v56+s5+$0x0], $0xffff;
	[tilespmem:s29+$0xCC00] =	vst v50  }
0x122: {  	s6 =	simm.s32 $0x300;
	v63 =	vor.u32 v36, v62;
	v56 =	vadd.s32 v14, v33;
	v51 =	vld.idx.msk [tilespmem:v51+s5+$0x0], $0xffff;
	[tilespmem:s26+$0xCC30] =	vst v46  }
0x123: {  	s23 =	sand.u32 $0x380, s6;
	s0 =	sshra.s32 s0, $0x2;
	v58 =	vadd.s32 v17, v31;
	v57 =	vor.u32 v34, v56;
	v59 =	vld.idx.msk [tilespmem:v59+s5+$0x0], $0xffff;
	[tilespmem:s28+$0xCC60] =	vst v42  }
0x124: {  	s2 =	sor.u32 s23, s0;
	v55 =	vor.u32 v32, v58;
	v60 =	vadd.s32 v20, v27;
	v43 =	vld.idx.msk [tilespmem:v43+s5+$0x0], $0xffff;
	[tilespmem:s31+$0xD010] =	vst v45  }
0x125: {  	v61 =	vadd.s32 v23, v29;
	[tilespmem:s2+$0xC800] =	vst v44;
	v45 =	vor.u32 v28, v60;
	v44 =	vld.idx.msk [tilespmem:v49+s5+$0x0], $0xffff  }
0x126: {  	v40 =	vadd.s32 v26, v40;
	v41 =	vor.u32 v30, v61;
	v50 =	vld.idx.msk [tilespmem:v52+s5+$0x0], $0xffff;
	[tilespmem:s3+$0xC830] =	vst v47  }
0x127: {  	v62 =	vadd.s32 v9, v37;
	v42 =	vor.u32 v39, v40;
	v48 =	vld.idx.msk [tilespmem:v63+s5+$0x0], $0xffff;
	[tilespmem:s30+$0xC860] =	vst v54  }
0x128: {  	s4 =	simm.s32 $0x7;
	v52 =	vor.u32 v38, v62;
	v63 =	vadd.s32 v12, v35;
	v47 =	vld.idx.msk [tilespmem:v57+s5+$0x0], $0xffff;
	[tilespmem:s29+$0xCC10] =	vst v51  }
0x129: {  	s7 =	simm.s32 $0x8;
	s0 =	sshll.u32 s25, $0x1;
	v39 =	vmov s4;
	v49 =	vor.u32 v36, v63;
	v51 =	vadd.s32 v15, v33;
	v46 =	vld.idx.msk [tilespmem:v55+s5+$0x0], $0xffff;
	[tilespmem:s26+$0xCC40] =	vst v59  }
.LBB2_5:
0x12a: {  	p1 =	sne.s32 s7, $0x27;
	v40 =	vshrl.u32 v39, $0x3;
	v51 =	vor.u32 v34, v51;
	v53 =	vadd.s32 v18, v31;
	v45 =	vld.idx.msk [tilespmem:v45+s5+$0x0], $0xffff;
	[tilespmem:s28+$0xCC70] =	vst v43  }
0x12b: {  	v40 =	vmul.u32 $0x1400, v40;
	v43 =	vor.u32 v32, v53;
	v53 =	vadd.s32 v21, v27;
	v41 =	vld.idx.msk [tilespmem:v41+s5+$0x0], $0xffff;
	[tilespmem:s31+$0xD020] =	vst v44  }
0x12c: {  	v39 =	vshll.u32 v39, $0x7;
	[tilespmem:s2+$0xC810] =	vst v50;
	v44 =	vor.u32 v28, v53;
	v50 =	vadd.s32 v24, v29;
	v42 =	vld.idx.msk [tilespmem:v42+s5+$0x0], $0xffff  }
0x12d: {  	v39 =	vand.u32 $0x380, v39;
	v53 =	vadd.s32 v7, v40;
	v52 =	vld.idx.msk [tilespmem:v52+s5+$0x0], $0xffff;
	[tilespmem:s3+$0xC840] =	vst v48;
	v48 =	vor.u32 v30, v50  }
0x12e: {  	v54 =	vmov v35;
	v50 =	vor.u32 v39, v53;
	v53 =	vadd.s32 v10, v37;
	v49 =	vld.idx.msk [tilespmem:v49+s5+$0x0], $0xffff;
	[tilespmem:s30+$0xC870] =	vst v47  }
0x12f: {  	v35 =	vmov v37;
	v56 =	vadd.s32 v13, v54;
	v47 =	vor.u32 v38, v53;
	v51 =	vld.idx.msk [tilespmem:v51+s5+$0x0], $0xffff;
	[tilespmem:s29+$0xCC20] =	vst v46  }
0x130: {  	v55 =	vadd.s32 v16, v33;
	v37 =	vmov v40;
	v46 =	vor.u32 v36, v56;
	v43 =	vld.idx.msk [tilespmem:v43+s5+$0x0], $0xffff;
	[tilespmem:s26+$0xCC50] =	vst v45  }
0x131: {  	v40 =	vor.u32 v34, v55;
	v45 =	vadd.s32 v19, v31;
	v44 =	vld.idx.msk [tilespmem:v44+s5+$0x0], $0xffff;
	[tilespmem:s28+$0xD000] =	vst v41;
	v53 =	vmov v30  }
0x132: {  	v41 =	vor.u32 v32, v45;
	v45 =	vadd.s32 v22, v27;
	v30 =	vmov v28;
	v48 =	vld.idx.msk [tilespmem:v48+s5+$0x0], $0xffff;
	[tilespmem:s31+$0xD030] =	vst v42;
	s31 =	smov.u32 s28;
	s28 =	smov.u32 s26;
	s26 =	smov.u32 s29  }
0x133: {  	v28 =	vmov v32;
	v45 =	vor.u32 v30, v45;
	s29 =	smov.u32 s30;
	s30 =	smov.u32 s3;
	s3 =	smov.u32 s2;
	v42 =	vld.idx.msk [tilespmem:v50+s5+$0x0], $0xffff;
	[tilespmem:s2+$0xC820] =	vst v52;
	v50 =	vadd.s32 v25, v29  }
0x134: {  	v32 =	vmov v34;
	s2 =	sshrl.u32 s4, $0x3;
	v52 =	vadd.s32 v8, v37;
	s4 =	smov.u32 s7;
	v47 =	vld.idx.msk [tilespmem:v47+s5+$0x0], $0xffff;
	[tilespmem:s30+$0xC850] =	vst v49;
	v49 =	vor.u32 v53, v50  }
0x135: {  	v34 =	vmov v36;
	s2 =	smul.u32 $0x3000, s2;
	v50 =	vor.u32 v39, v52;
	v52 =	vadd.s32 v11, v35;
	v46 =	vld.idx.msk [tilespmem:v46+s5+$0x0], $0xffff;
	[tilespmem:s29+$0xCC00] =	vst v51  }
0x136: {  	s6 =	sadd.s32 $0x80, s6;
	v36 =	vmov v38;
	v51 =	vor.u32 v38, v52;
	v52 =	vadd.s32 v14, v54;
	v40 =	vld.idx.msk [tilespmem:v40+s5+$0x0], $0xffff;
	[tilespmem:s26+$0xCC30] =	vst v43  }
0x137: {  	s10 =	sand.u32 $0x380, s6;
	v38 =	vmov v39;
	s2 =	sshra.s32 s2, $0x2;
	v55 =	vor.u32 v34, v52;
	v43 =	vadd.s32 v17, v33;
	v56 =	vld.idx.msk [tilespmem:v41+s5+$0x0], $0xffff;
	[tilespmem:s28+$0xCC60] =	vst v44  }
0x138: {  	v39 =	vadd.s32 v20, v31;
	s2 =	sor.u32 s10, s2;
	v57 =	vor.u32 v32, v43;
	v43 =	vld.idx.msk [tilespmem:v45+s5+$0x0], $0xffff;
	[tilespmem:s31+$0xD010] =	vst v48  }
.Ltmp3:
0x139: {  	v45 =	vor.u32 v28, v39;
	v39 =	vadd.s32 v23, v27;
	[tilespmem:s2+$0xC800] =	vst v42;
	v44 =	vld.idx.msk [tilespmem:v49+s5+$0x0], $0xffff;
	(pc) =	sbr.rel @p1 .LBB2_5-.Ltmp3, $4  }
0x13a: {  	v41 =	vor.u32 v30, v39;
	v39 =	vadd.s32 v26, v29;
	v29 =	vmov v27;
	v50 =	vld.idx.msk [tilespmem:v50+s5+$0x0], $0xffff;
	[tilespmem:s3+$0xC830] =	vst v47  }
0x13b: {  	v27 =	vmov v31;
	v47 =	vadd.s32 v9, v37;
	v42 =	vor.u32 v53, v39;
	v48 =	vld.idx.msk [tilespmem:v51+s5+$0x0], $0xffff;
	[tilespmem:s30+$0xC860] =	vst v46  }
0x13c: {  	v31 =	vmov v33;
	v52 =	vor.u32 v38, v47;
	v46 =	vadd.s32 v12, v35;
	v47 =	vld.idx.msk [tilespmem:v55+s5+$0x0], $0xffff;
	[tilespmem:s29+$0xCC10] =	vst v40  }
0x13d: {  	s7 =	sadd.s32 $0x1, s7;
	v33 =	vmovc v54;
	v39 =	vmov s4;
	v51 =	vadd.s32 v15, v54;
	v49 =	vor.u32 v36, v46;
	v46 =	vld.idx.msk [tilespmem:v57+s5+$0x0], $0xffff;
	[tilespmem:s26+$0xCC40] =	vst v56  }
0x13e: {  	v40 =	vshrl.u32 v39, $0x3  }
0x13f: {  	v40 =	vmul.u32 $0x1400, v40  }
0x140: {  	v60 =	vshll.u32 v39, $0x7  }
0x141: {  	v39 =	vand.u32 $0x380, v60;
	v53 =	vadd.s32 v7, v40  }
0x142: {  	v53 =	vor.u32 v39, v53;
	_ =	sdelay $0x4  }
0x143: {  	s4 =	sshrl.u32 s4, $0x3;
	v54 =	vadd.s32 v8, v40;
	v53 =	vld.idx.msk [tilespmem:v53+s5+$0x0], $0xffff  }
0x144: {  	s4 =	smul.u32 $0x3000, s4;
	v54 =	vor.u32 v39, v54  }
0x145: {  	s6 =	sadd.s32 $0x80, s6  }
0x146: {  	s6 =	sand.u32 $0x380, s6;
	s4 =	sshra.s32 s4, $0x2  }
0x147: {  	s7 =	sor.u32 s6, s4  }
0x148: {  	[tilespmem:s7+$0xC800] =	vst v53  }
0x149: {  	[tilespmem:s2+$0xC810] =	vst v50;
	v61 =	vadd.s32 v9, v40;
	v53 =	vld.idx.msk [tilespmem:v54+s5+$0x0], $0xffff  }
0x14a: {  	v62 =	vadd.s32 v10, v37;
	v50 =	vld.idx.msk [tilespmem:v52+s5+$0x0], $0xffff;
	v54 =	vor.u32 v39, v61  }
0x14b: {  	v52 =	vor.u32 v38, v62;
	_ =	sdelay $0x2  }
0x14c: {  	[tilespmem:s7+$0xC810] =	vst v53  }
0x14d: {  	v63 =	vadd.s32 v10, v40;
	[tilespmem:s2+$0xC820] =	vst v50;
	v53 =	vld.idx.msk [tilespmem:v54+s5+$0x0], $0xffff  }
0x14e: {  	v57 =	vadd.s32 v11, v37;
	v50 =	vld.idx.msk [tilespmem:v52+s5+$0x0], $0xffff;
	v54 =	vor.u32 v39, v63  }
0x14f: {  	v52 =	vor.u32 v38, v57;
	_ =	sdelay $0x2  }
0x150: {  	[tilespmem:s7+$0xC820] =	vst v53  }
0x151: {  	v58 =	vadd.s32 v11, v40;
	[tilespmem:s2+$0xC830] =	vst v50;
	v53 =	vld.idx.msk [tilespmem:v54+s5+$0x0], $0xffff  }
0x152: {  	v59 =	vadd.s32 v12, v37;
	v50 =	vld.idx.msk [tilespmem:v52+s5+$0x0], $0xffff;
	v54 =	vor.u32 v39, v58  }
0x153: {  	v52 =	vor.u32 v38, v59;
	_ =	sdelay $0x2  }
0x154: {  	[tilespmem:s7+$0xC830] =	vst v53  }
0x155: {  	v60 =	vadd.s32 v12, v40;
	[tilespmem:s2+$0xC840] =	vst v50;
	v53 =	vld.idx.msk [tilespmem:v54+s5+$0x0], $0xffff  }
0x156: {  	[tilespmem:s3+$0xC840] =	vst v48;
	v62 =	vadd.s32 v13, v37;
	v50 =	vld.idx.msk [tilespmem:v52+s5+$0x0], $0xffff;
	v54 =	vor.u32 v39, v60  }
0x157: {  	v48 =	vld.idx.msk [tilespmem:v49+s5+$0x0], $0xffff;
	v61 =	vadd.s32 v13, v35;
	v52 =	vor.u32 v38, v62  }
0x158: {  	v49 =	vor.u32 v36, v61;
	_ =	sdelay $0x1  }
0x159: {  	[tilespmem:s7+$0xC840] =	vst v53  }
0x15a: {  	v63 =	vadd.s32 v13, v40;
	[tilespmem:s2+$0xC850] =	vst v50;
	v53 =	vld.idx.msk [tilespmem:v54+s5+$0x0], $0xffff  }
0x15b: {  	v56 =	vadd.s32 v14, v37;
	[tilespmem:s3+$0xC850] =	vst v48;
	v50 =	vld.idx.msk [tilespmem:v52+s5+$0x0], $0xffff;
	v54 =	vor.u32 v39, v63  }
0x15c: {  	v55 =	vadd.s32 v14, v35;
	v48 =	vld.idx.msk [tilespmem:v49+s5+$0x0], $0xffff;
	v52 =	vor.u32 v38, v56  }
0x15d: {  	v49 =	vor.u32 v36, v55;
	_ =	sdelay $0x1  }
0x15e: {  	[tilespmem:s7+$0xC850] =	vst v53  }
0x15f: {  	v57 =	vadd.s32 v14, v40;
	v58 =	vor.u32 v34, v51;
	[tilespmem:s2+$0xC860] =	vst v50;
	v53 =	vld.idx.msk [tilespmem:v54+s5+$0x0], $0xffff  }
0x160: {  	v62 =	vadd.s32 v15, v37;
	[tilespmem:s3+$0xC860] =	vst v48;
	v61 =	vld.idx.msk [tilespmem:v52+s5+$0x0], $0xffff;
	v54 =	vor.u32 v39, v57  }
0x161: {  	v59 =	vadd.s32 v15, v35;
	v49 =	vld.idx.msk [tilespmem:v49+s5+$0x0], $0xffff;
	v52 =	vor.u32 v38, v62  }
0x162: {  	[tilespmem:s28+$0xCC70] =	vst v43;
	v60 =	vor.u32 v36, v59  }
0x163: {  	v45 =	vld.idx.msk [tilespmem:v45+s5+$0x0], $0xffff;
	[tilespmem:s30+$0xC870] =	vst v47  }
0x164: {  	v47 =	vld.idx.msk [tilespmem:v58+s5+$0x0], $0xffff;
	v57 =	vadd.s32 v16, v33;
	[tilespmem:s7+$0xC860] =	vst v53  }
0x165: {  	[tilespmem:s2+$0xC870] =	vst v61;
	v63 =	vadd.s32 v15, v40;
	v48 =	vor.u32 v34, v57;
	v53 =	vld.idx.msk [tilespmem:v54+s5+$0x0], $0xffff  }
0x166: {  	[tilespmem:s3+$0xC870] =	vst v49;
	v59 =	vadd.s32 v16, v37;
	v51 =	vld.idx.msk [tilespmem:v52+s5+$0x0], $0xffff;
	v54 =	vor.u32 v39, v63  }
0x167: {  	[tilespmem:s31+$0xD020] =	vst v44;
	v49 =	vld.idx.msk [tilespmem:v60+s5+$0x0], $0xffff;
	v60 =	vor.u32 v38, v59  }
0x168: {  	v41 =	vld.idx.msk [tilespmem:v41+s5+$0x0], $0xffff;
	[tilespmem:s29+$0xCC20] =	vst v46  }
0x169: {  	v58 =	vadd.s32 v16, v35;
	[tilespmem:s30+$0xCC00] =	vst v47  }
0x16a: {  	v50 =	vor.u32 v36, v58;
	v47 =	vld.idx.msk [tilespmem:v48+s5+$0x0], $0xffff;
	[tilespmem:s7+$0xC870] =	vst v53;
	v53 =	vadd.s32 v17, v33  }
0x16b: {  	v62 =	vadd.s32 v16, v40;
	[tilespmem:s2+$0xCC00] =	vst v51;
	v61 =	vld.idx.msk [tilespmem:v54+s5+$0x0], $0xffff;
	v48 =	vor.u32 v34, v53  }
0x16c: {  	[tilespmem:s26+$0xCC50] =	vst v45;
	v55 =	vadd.s32 v17, v37;
	v43 =	vld.idx.msk [tilespmem:v60+s5+$0x0], $0xffff;
	v63 =	vor.u32 v39, v62  }
0x16d: {  	[tilespmem:s28+$0xD000] =	vst v41;
	v46 =	vor.u32 v38, v55;
	v57 =	vadd.s32 v18, v31  }
0x16e: {  	[tilespmem:s3+$0xCC00] =	vst v49;
	v59 =	vor.u32 v32, v57  }
0x16f: {  	v49 =	vld.idx.msk [tilespmem:v50+s5+$0x0], $0xffff;
	[tilespmem:s30+$0xCC10] =	vst v47;
	v54 =	vadd.s32 v17, v35  }
0x170: {  	v50 =	vor.u32 v36, v54;
	[tilespmem:s7+$0xCC00] =	vst v61;
	v48 =	vld.idx.msk [tilespmem:v48+s5+$0x0], $0xffff;
	v61 =	vadd.s32 v18, v33  }
0x171: {  	v56 =	vadd.s32 v17, v40;
	[tilespmem:s2+$0xCC10] =	vst v43;
	v44 =	vld.idx.msk [tilespmem:v63+s5+$0x0], $0xffff;
	v62 =	vor.u32 v34, v61  }
0x172: {  	v58 =	vor.u32 v39, v56;
	v56 =	vadd.s32 v18, v37;
	v60 =	vadd.s32 v21, v27;
	v46 =	vld.idx.msk [tilespmem:v46+s5+$0x0], $0xffff  }
0x173: {  	v41 =	vor.u32 v38, v56;
	v51 =	vld.idx.msk [tilespmem:v59+s5+$0x0], $0xffff;
	v47 =	vor.u32 v28, v60;
	v60 =	vadd.s32 v19, v31  }
0x174: {  	v42 =	vld.idx.msk [tilespmem:v42+s5+$0x0], $0xffff;
	[tilespmem:s3+$0xCC10] =	vst v49;
	v61 =	vor.u32 v32, v60  }
0x175: {  	v50 =	vld.idx.msk [tilespmem:v50+s5+$0x0], $0xffff;
	v63 =	vadd.s32 v18, v35;
	[tilespmem:s30+$0xCC20] =	vst v48  }
0x176: {  	v43 =	vor.u32 v36, v63;
	[tilespmem:s7+$0xCC10] =	vst v44;
	v49 =	vld.idx.msk [tilespmem:v62+s5+$0x0], $0xffff;
	v62 =	vadd.s32 v19, v33  }
0x177: {  	v57 =	vadd.s32 v18, v40;
	[tilespmem:s2+$0xCC20] =	vst v46;
	v44 =	vld.idx.msk [tilespmem:v58+s5+$0x0], $0xffff;
	v63 =	vor.u32 v34, v62  }
0x178: {  	v59 =	vor.u32 v39, v57;
	v41 =	vld.idx.msk [tilespmem:v41+s5+$0x0], $0xffff;
	[tilespmem:s29+$0xCC30] =	vst v51;
	v58 =	vadd.s32 v24, v29  }
0x179: {  	[tilespmem:s31+$0xD030] =	vst v42;
	v48 =	vld.idx.msk [tilespmem:v61+s5+$0x0], $0xffff;
	v61 =	vadd.s32 v20, v31;
	v45 =	vor.u32 v30, v58  }
0x17a: {  	v47 =	vld.idx.msk [tilespmem:v47+s5+$0x0], $0xffff;
	[tilespmem:s3+$0xCC20] =	vst v50;
	v62 =	vor.u32 v32, v61  }
0x17b: {  	v56 =	vadd.s32 v19, v35;
	v43 =	vld.idx.msk [tilespmem:v43+s5+$0x0], $0xffff;
	[tilespmem:s30+$0xCC30] =	vst v49  }
0x17c: {  	v57 =	vadd.s32 v19, v37;
	v46 =	vor.u32 v36, v56;
	[tilespmem:s7+$0xCC20] =	vst v44;
	v50 =	vld.idx.msk [tilespmem:v63+s5+$0x0], $0xffff  }
0x17d: {  	[tilespmem:s2+$0xCC30] =	vst v41;
	v58 =	vadd.s32 v19, v40;
	v44 =	vor.u32 v38, v57;
	v42 =	vld.idx.msk [tilespmem:v59+s5+$0x0], $0xffff  }
0x17e: {  	v60 =	vor.u32 v39, v58;
	[tilespmem:s29+$0xCC40] =	vst v48;
	v63 =	vadd.s32 v20, v33;
	v45 =	vld.idx.msk [tilespmem:v45+s5+$0x0], $0xffff  }
0x17f: {  	[tilespmem:s26+$0xCC60] =	vst v47;
	v49 =	vld.idx.msk [tilespmem:v62+s5+$0x0], $0xffff;
	v62 =	vadd.s32 v21, v31;
	v56 =	vor.u32 v34, v63  }
0x180: {  	[tilespmem:s3+$0xCC30] =	vst v43;
	v59 =	vadd.s32 v22, v27;
	v63 =	vor.u32 v32, v62  }
0x181: {  	v57 =	vadd.s32 v20, v35;
	v46 =	vld.idx.msk [tilespmem:v46+s5+$0x0], $0xffff;
	v51 =	vor.u32 v28, v59;
	[tilespmem:s30+$0xCC40] =	vst v50  }
0x182: {  	v58 =	vor.u32 v36, v57;
	v59 =	vadd.s32 v20, v37;
	v44 =	vld.idx.msk [tilespmem:v44+s5+$0x0], $0xffff;
	[tilespmem:s7+$0xCC30] =	vst v42  }
0x183: {  	[tilespmem:s28+$0xD010] =	vst v45;
	v42 =	vor.u32 v38, v59;
	v45 =	vld.idx.msk [tilespmem:v60+s5+$0x0], $0xffff;
	v60 =	vadd.s32 v20, v40  }
0x184: {  	v61 =	vadd.s32 v25, v29;
	[tilespmem:s29+$0xCC50] =	vst v49;
	v43 =	vld.idx.msk [tilespmem:v56+s5+$0x0], $0xffff;
	v47 =	vor.u32 v39, v60  }
0x185: {  	v48 =	vor.u32 v30, v61;
	v50 =	vld.idx.msk [tilespmem:v63+s5+$0x0], $0xffff  }
0x186: {  	v54 =	vadd.s32 v26, v29;
	v56 =	vadd.s32 v21, v33;
	[tilespmem:s3+$0xCC40] =	vst v46;
	v51 =	vld.idx.msk [tilespmem:v51+s5+$0x0], $0xffff  }
0x187: {  	v57 =	vor.u32 v34, v56;
	v41 =	vld.idx.msk [tilespmem:v58+s5+$0x0], $0xffff;
	v58 =	vadd.s32 v21, v35;
	[tilespmem:s2+$0xCC40] =	vst v44  }
0x188: {  	v59 =	vor.u32 v36, v58;
	v60 =	vadd.s32 v21, v37;
	v42 =	vld.idx.msk [tilespmem:v42+s5+$0x0], $0xffff;
	[tilespmem:s7+$0xCC40] =	vst v45  }
0x189: {  	v61 =	vadd.s32 v21, v40;
	[tilespmem:s30+$0xCC50] =	vst v43;
	v45 =	vor.u32 v38, v60;
	v47 =	vld.idx.msk [tilespmem:v47+s5+$0x0], $0xffff  }
0x18a: {  	v49 =	vor.u32 v39, v61;
	v63 =	vadd.s32 v22, v31;
	v48 =	vld.idx.msk [tilespmem:v48+s5+$0x0], $0xffff;
	[tilespmem:s29+$0xCC60] =	vst v50  }
0x18b: {  	v29 =	vor.u32 v30, v54;
	v62 =	vadd.s32 v23, v27;
	v56 =	vor.u32 v32, v63;
	[tilespmem:s26+$0xCC70] =	vst v51  }
0x18c: {  	v61 =	vadd.s32 v22, v37;
	v46 =	vld.idx.msk [tilespmem:v57+s5+$0x0], $0xffff;
	v57 =	vadd.s32 v22, v33;
	[tilespmem:s3+$0xCC50] =	vst v41  }
0x18d: {  	v58 =	vor.u32 v34, v57;
	v44 =	vld.idx.msk [tilespmem:v59+s5+$0x0], $0xffff;
	v59 =	vadd.s32 v22, v35;
	[tilespmem:s2+$0xCC50] =	vst v42  }
0x18e: {  	v63 =	vadd.s32 v22, v40;
	v60 =	vor.u32 v36, v59;
	v45 =	vld.idx.msk [tilespmem:v45+s5+$0x0], $0xffff;
	[tilespmem:s7+$0xCC50] =	vst v47  }
0x18f: {  	v51 =	vor.u32 v28, v62;
	[tilespmem:s28+$0xD020] =	vst v48;
	v62 =	vor.u32 v38, v61;
	v48 =	vld.idx.msk [tilespmem:v49+s5+$0x0], $0xffff  }
0x190: {  	v55 =	vld.idx.msk [tilespmem:v56+s5+$0x0], $0xffff;
	v49 =	vor.u32 v39, v63  }
0x191: {  	v56 =	vadd.s32 v23, v31;
	v29 =	vld.idx.msk [tilespmem:v29+s5+$0x0], $0xffff;
	[tilespmem:s30+$0xCC60] =	vst v46  }
0x192: {  	v43 =	vor.u32 v32, v56;
	v57 =	vadd.s32 v23, v33;
	v41 =	vld.idx.msk [tilespmem:v58+s5+$0x0], $0xffff;
	[tilespmem:s3+$0xCC60] =	vst v44  }
0x193: {  	v59 =	vadd.s32 v23, v35;
	v58 =	vor.u32 v34, v57;
	v42 =	vld.idx.msk [tilespmem:v60+s5+$0x0], $0xffff;
	[tilespmem:s2+$0xCC60] =	vst v45  }
0x194: {  	v60 =	vor.u32 v36, v59;
	v61 =	vld.idx.msk [tilespmem:v62+s5+$0x0], $0xffff;
	v62 =	vadd.s32 v23, v37;
	[tilespmem:s7+$0xCC60] =	vst v48  }
0x195: {  	[tilespmem:s29+$0xCC70] =	vst v55;
	v63 =	vadd.s32 v23, v40;
	v47 =	vor.u32 v38, v62;
	v48 =	vld.idx.msk [tilespmem:v49+s5+$0x0], $0xffff  }
0x196: {  	v52 =	vadd.s32 v24, v27;
	v51 =	vld.idx.msk [tilespmem:v51+s5+$0x0], $0xffff;
	[tilespmem:s28+$0xD030] =	vst v29;
	v53 =	vor.u32 v39, v63  }
0x197: {  	v54 =	vor.u32 v28, v52;
	v55 =	vadd.s32 v24, v31;
	v43 =	vld.idx.msk [tilespmem:v43+s5+$0x0], $0xffff;
	[tilespmem:s30+$0xCC70] =	vst v41  }
0x198: {  	v56 =	vor.u32 v32, v55;
	v57 =	vadd.s32 v24, v33;
	v44 =	vld.idx.msk [tilespmem:v58+s5+$0x0], $0xffff;
	[tilespmem:s3+$0xCC70] =	vst v42  }
0x199: {  	v59 =	vadd.s32 v24, v35;
	v58 =	vor.u32 v34, v57;
	v45 =	vld.idx.msk [tilespmem:v60+s5+$0x0], $0xffff;
	[tilespmem:s2+$0xCC70] =	vst v61  }
0x19a: {  	v60 =	vor.u32 v36, v59;
	v61 =	vadd.s32 v24, v37;
	v47 =	vld.idx.msk [tilespmem:v47+s5+$0x0], $0xffff;
	[tilespmem:s7+$0xCC70] =	vst v48  }
0x19b: {  	v63 =	vadd.s32 v24, v40;
	[tilespmem:s26+$0xD000] =	vst v51;
	v62 =	vor.u32 v38, v61;
	v30 =	vld.idx.msk [tilespmem:v53+s5+$0x0], $0xffff  }
0x19c: {  	v52 =	vadd.s32 v25, v27;
	[tilespmem:s29+$0xD000] =	vst v43;
	v49 =	vld.idx.msk [tilespmem:v54+s5+$0x0], $0xffff;
	v53 =	vor.u32 v39, v63  }
0x19d: {  	v55 =	vadd.s32 v25, v31;
	v41 =	vld.idx.msk [tilespmem:v56+s5+$0x0], $0xffff;
	v54 =	vor.u32 v28, v52;
	[tilespmem:s30+$0xD000] =	vst v44  }
0x19e: {  	v56 =	vor.u32 v32, v55;
	v57 =	vadd.s32 v25, v33;
	v42 =	vld.idx.msk [tilespmem:v58+s5+$0x0], $0xffff;
	[tilespmem:s3+$0xD000] =	vst v45  }
0x19f: {  	v59 =	vadd.s32 v25, v35;
	v58 =	vor.u32 v34, v57;
	v46 =	vld.idx.msk [tilespmem:v60+s5+$0x0], $0xffff;
	[tilespmem:s2+$0xD000] =	vst v47  }
0x1a0: {  	v61 =	vadd.s32 v25, v37;
	v60 =	vor.u32 v36, v59;
	v29 =	vld.idx.msk [tilespmem:v62+s5+$0x0], $0xffff;
	[tilespmem:s7+$0xD000] =	vst v30  }
0x1a1: {  	[tilespmem:s26+$0xD010] =	vst v49;
	v63 =	vadd.s32 v25, v40;
	v62 =	vor.u32 v38, v61;
	v43 =	vld.idx.msk [tilespmem:v53+s5+$0x0], $0xffff  }
0x1a2: {  	v27 =	vadd.s32 v26, v27;
	[tilespmem:s29+$0xD010] =	vst v41;
	v48 =	vld.idx.msk [tilespmem:v54+s5+$0x0], $0xffff;
	v52 =	vor.u32 v39, v63  }
0x1a3: {  	v27 =	vor.u32 v28, v27;
	v54 =	vadd.s32 v26, v31;
	[tilespmem:s30+$0xD010] =	vst v42;
	v53 =	vld.idx.msk [tilespmem:v56+s5+$0x0], $0xffff  }
0x1a4: {  	v31 =	vor.u32 v32, v54;
	v55 =	vld.idx.msk [tilespmem:v58+s5+$0x0], $0xffff;
	[tilespmem:s3+$0xD010] =	vst v46;
	v56 =	vadd.s32 v26, v33  }
0x1a5: {  	v58 =	vadd.s32 v26, v35;
	v57 =	vld.idx.msk [tilespmem:v60+s5+$0x0], $0xffff;
	v33 =	vor.u32 v34, v56;
	[tilespmem:s2+$0xD010] =	vst v29  }
0x1a6: {  	v59 =	vor.u32 v36, v58;
	v60 =	vadd.s32 v26, v37;
	v30 =	vld.idx.msk [tilespmem:v62+s5+$0x0], $0xffff;
	[tilespmem:s7+$0xD010] =	vst v43  }
0x1a7: {  	[tilespmem:s26+$0xD020] =	vst v48;
	v35 =	vor.u32 v38, v60;
	v62 =	vadd.s32 v26, v40;
	v61 =	vld.idx.msk [tilespmem:v52+s5+$0x0], $0xffff  }
0x1a8: {  	v27 =	vld.idx.msk [tilespmem:v27+s5+$0x0], $0xffff;
	[tilespmem:s29+$0xD020] =	vst v53;
	v63 =	vor.u32 v39, v62  }
0x1a9: {  	[tilespmem:s30+$0xD020] =	vst v55;
	v31 =	vld.idx.msk [tilespmem:v31+s5+$0x0], $0xffff  }
0x1aa: {  	[tilespmem:s3+$0xD020] =	vst v57;
	v32 =	vld.idx.msk [tilespmem:v33+s5+$0x0], $0xffff  }
0x1ab: {  	s28 =	sshrl.u32 s25, $0x3;
	v29 =	vld.idx.msk [tilespmem:v59+s5+$0x0], $0xffff;
	[tilespmem:s2+$0xD020] =	vst v30  }
0x1ac: {  	s4 =	sadd.s32 s9, s28;
	v30 =	vld.idx.msk [tilespmem:v35+s5+$0x0], $0xffff;
	[tilespmem:s7+$0xD020] =	vst v61  }
0x1ad: {  	s0 =	sand.u32 $0xE, s0;
	s4 =	smul.u32 $0x3C000, s4;
	[tilespmem:s26+$0xD030] =	vst v27;
	v27 =	vld.idx.msk [tilespmem:v63+s5+$0x0], $0xffff  }
0x1ae: {  	p1 =	sne.s32 s25, $0xF;
	s0 =	smul.u32 $0x3C00, s0;
	[tilespmem:s29+$0xD030] =	vst v31  }
.Ltmp4:
0x1af: {  	s4 =	sadd.s32 s8, s4;
	[tilespmem:s30+$0xD030] =	vst v32;
	(pc) =	sbr.rel @p1 .LBB2_8-.Ltmp4, $4  }
0x1b0: {  	s0 =	sadd.s32 s0, s4;
	[tilespmem:s3+$0xD030] =	vst v29  }
0x1b1: {  	s0 =	sshrl.u32 s0, $0x3;
	s30 =	rddreg [dreg:$0x2];
	[tilespmem:s2+$0xD030] =	vst v30  }
0x1b2: {  	s31 =	simm.s32 $0xC800;
	s26 =	sadd.s32 s30, s0;
	[tilespmem:s7+$0xD030] =	vst v27  }
0x1b3: {  	[hbm4b:s26+s5] =	stream.linear.scatter [tilespmem:s31], [sflag:$0x3], $0x3C00, $0x38;
	[tilespmem:$0x14600] =	vst v63  }
.Ltmp5:
0x1b4: {  	(pc) =	sbr.rel .LBB2_9-.Ltmp5, $4  }
0x1b5: {  	_ = 	snop  }
0x1b6: {  	_ =	swait.ge [sflag:s19], $0x6400  }
0x1b7: {  	[sflag:s19] =	ssyncset.done $0x0  }
0x1b8: {  	[sflag:s19] =	ssyncadd.s32 $0xFFFF9C00  }
.LBB2_8:
0x1b9: {  	s0 =	smul.u32 $0x50, s25  }
0x1ba: {  	s2 =	rddreg [dreg:$0x6]  }
0x1bb: {  	s0 =	sadd.s32 s0, s2  }
0x1bc: {  	s0 =	sshrl.u32 s0, $0x3  }
0x1bd: {  	s0 =	smul.u32 $0x280, s0;
	_ =	sdelay $0x1  }
.Ltmp6:
0x1be: {  	s0 =	sadd.s32 s1, s0;
	(pc) =	sbr.rel @p0 .LBB2_10-.Ltmp6, $4  }
0x1bf: {  	[tilespmem:s5], [sflag:$0x1] =	stream.linear.gather [hbm4b:s0+s5], $0x6400, $0x38;
	[tilespmem:$0x14600] =	vst v63  }
0x1c0: {  	_ =	swait.ge [sflag:s19], $0x6400  }
0x1c1: {  	[sflag:s19] =	ssyncset.done $0x0  }
0x1c2: {  	[sflag:s19] =	ssyncadd.s32 $0xFFFF9C00  }
.LBB2_9:
0x1c3: {  	_ =	swait.ge [sflag:s20], $0x3C00  }
0x1c4: {  	[sflag:s20] =	ssyncset.done $0x0  }
0x1c5: {  	[sflag:s20] =	ssyncadd.s32 $0xFFFFC400  }
.LBB2_10:
0x1c6: {  	s0 =	simm.s32 $0x0  }
0x1c7: {  	v27 =	vmov s0  }
0x1c8: {  	v28 =	vshrl.u32 v27, $0x3  }
0x1c9: {  	v40 =	vmul.u32 $0x1400, v28  }
0x1ca: {  	v27 =	vshll.u32 v27, $0x7  }
0x1cb: {  	v39 =	vand.u32 $0x380, v27;
	v27 =	vadd.s32 v7, v40  }
0x1cc: {  	v27 =	vor.u32 v39, v27;
	_ =	sdelay $0x4  }
0x1cd: {  	s2 =	simm.s32 $0x0;
	v28 =	vadd.s32 v8, v40;
	v27 =	vld.idx.msk [tilespmem:v27+s16+$0x0], $0xffff  }
0x1ce: {  	s2 =	smul.u32 $0x3000, s2;
	v28 =	vor.u32 v39, v28;
	_ =	sdelay $0x1  }
0x1cf: {  	s0 =	sand.u32 $0x380, s0;
	s2 =	sshra.s32 s2, $0x2  }
0x1d0: {  	s0 =	sor.u32 s0, s2  }
0x1d1: {  	[tilespmem:s0+$0x10400] =	vst v27  }
0x1d2: {  	s22 =	simm.s32 $0x1;
	v27 =	vld.idx.msk [tilespmem:v28+s16+$0x0], $0xffff;
	v28 =	vadd.s32 v9, v40  }
0x1d3: {  	v30 =	vmov s22;
	v28 =	vor.u32 v39, v28  }
0x1d4: {  	v29 =	vshrl.u32 v30, $0x3  }
0x1d5: {  	v29 =	vmul.u32 $0x1400, v29  }
0x1d6: {  	v30 =	vshll.u32 v30, $0x7;
	s4 =	sadd.s32 $0x10400, s0  }
0x1d7: {  	v31 =	vand.u32 $0x380, v30;
	[tilespmem:s4+$0x10] =	vst v27;
	v27 =	vadd.s32 v7, v29  }
0x1d8: {  	v30 =	vadd.s32 v10, v40;
	v28 =	vld.idx.msk [tilespmem:v28+s16+$0x0], $0xffff;
	v27 =	vor.u32 v31, v27  }
0x1d9: {  	v30 =	vor.u32 v39, v30;
	_ =	sdelay $0x3  }
0x1da: {  	s23 =	simm.s32 $0x0;
	v27 =	vld.idx.msk [tilespmem:v27+s16+$0x0], $0xffff;
	[tilespmem:s4+$0x20] =	vst v28;
	v28 =	vadd.s32 v8, v29  }
0x1db: {  	s2 =	smul.u32 $0x3000, s23;
	v32 =	vadd.s32 v11, v40;
	v30 =	vld.idx.msk [tilespmem:v30+s16+$0x0], $0xffff;
	v28 =	vor.u32 v31, v28  }
0x1dc: {  	s3 =	simm.s32 $0x80;
	v32 =	vor.u32 v39, v32  }
0x1dd: {  	s3 =	sand.u32 $0x380, s3;
	s2 =	sshra.s32 s2, $0x2  }
0x1de: {  	s30 =	sor.u32 s3, s2  }
0x1df: {  	[tilespmem:s30+$0x10400] =	vst v27  }
0x1e0: {  	s3 =	simm.s32 $0x2;
	v27 =	vld.idx.msk [tilespmem:v28+s16+$0x0], $0xffff;
	[tilespmem:s4+$0x30] =	vst v30;
	v28 =	vadd.s32 v9, v29  }
0x1e1: {  	v33 =	vmov s3;
	v30 =	vld.idx.msk [tilespmem:v32+s16+$0x0], $0xffff;
	v37 =	vor.u32 v31, v28;
	v28 =	vadd.s32 v12, v40  }
0x1e2: {  	v34 =	vor.u32 v39, v28;
	v28 =	vshrl.u32 v33, $0x3  }
0x1e3: {  	v28 =	vmul.u32 $0x1400, v28  }
0x1e4: {  	s3 =	sadd.s32 $0x10400, s30;
	v33 =	vshll.u32 v33, $0x7  }
0x1e5: {  	[tilespmem:s3+$0x10] =	vst v27;
	v27 =	vand.u32 $0x380, v33;
	v38 =	vadd.s32 v7, v28  }
0x1e6: {  	v41 =	vadd.s32 v10, v29;
	v32 =	vld.idx.msk [tilespmem:v37+s16+$0x0], $0xffff;
	[tilespmem:s4+$0x40] =	vst v30;
	v30 =	vor.u32 v27, v38  }
0x1e7: {  	v35 =	vadd.s32 v13, v40;
	v33 =	vor.u32 v31, v41;
	v34 =	vld.idx.msk [tilespmem:v34+s16+$0x0], $0xffff  }
0x1e8: {  	v35 =	vor.u32 v39, v35;
	_ =	sdelay $0x2  }
0x1e9: {  	s6 =	simm.s32 $0x0;
	v42 =	vadd.s32 v8, v28;
	v30 =	vld.idx.msk [tilespmem:v30+s16+$0x0], $0xffff;
	[tilespmem:s3+$0x20] =	vst v32  }
0x1ea: {  	v43 =	vadd.s32 v11, v29;
	s2 =	smul.u32 $0x3000, s6;
	v32 =	vor.u32 v27, v42;
	v33 =	vld.idx.msk [tilespmem:v33+s16+$0x0], $0xffff;
	[tilespmem:s4+$0x50] =	vst v34  }
0x1eb: {  	v36 =	vadd.s32 v14, v40;
	s6 =	simm.s32 $0x100;
	v34 =	vor.u32 v31, v43;
	v35 =	vld.idx.msk [tilespmem:v35+s16+$0x0], $0xffff  }
0x1ec: {  	v36 =	vor.u32 v39, v36;
	s6 =	sand.u32 $0x380, s6;
	s2 =	sshra.s32 s2, $0x2  }
0x1ed: {  	s28 =	sor.u32 s6, s2  }
0x1ee: {  	[tilespmem:s28+$0x10400] =	vst v30  }
0x1ef: {  	s7 =	simm.s32 $0x3;
	v30 =	vadd.s32 v9, v28;
	v32 =	vld.idx.msk [tilespmem:v32+s16+$0x0], $0xffff;
	[tilespmem:s3+$0x30] =	vst v33  }
0x1f0: {  	v45 =	vmov s7;
	v44 =	vor.u32 v27, v30;
	v30 =	vadd.s32 v12, v29;
	v33 =	vld.idx.msk [tilespmem:v34+s16+$0x0], $0xffff;
	[tilespmem:s4+$0x60] =	vst v35  }
0x1f1: {  	v38 =	vshrl.u32 v45, $0x3;
	v37 =	vor.u32 v31, v30;
	v30 =	vadd.s32 v15, v40;
	v36 =	vld.idx.msk [tilespmem:v36+s16+$0x0], $0xffff  }
0x1f2: {  	v41 =	vor.u32 v39, v30;
	v30 =	vmul.u32 $0x1400, v38  }
0x1f3: {  	s10 =	sadd.s32 $0x10400, s28;
	v35 =	vshll.u32 v45, $0x7  }
0x1f4: {  	v46 =	vadd.s32 v7, v30;
	[tilespmem:s10+$0x10] =	vst v32;
	v32 =	vand.u32 $0x380, v35  }
0x1f5: {  	v48 =	vadd.s32 v10, v28;
	v34 =	vld.idx.msk [tilespmem:v44+s16+$0x0], $0xffff;
	[tilespmem:s3+$0x40] =	vst v33;
	v47 =	vor.u32 v32, v46  }
0x1f6: {  	v49 =	vadd.s32 v13, v29;
	v35 =	vor.u32 v27, v48;
	v37 =	vld.idx.msk [tilespmem:v37+s16+$0x0], $0xffff;
	[tilespmem:s4+$0x70] =	vst v36  }
0x1f7: {  	v51 =	vadd.s32 v16, v40;
	v36 =	vor.u32 v31, v49;
	v50 =	vld.idx.msk [tilespmem:v41+s16+$0x0], $0xffff  }
0x1f8: {  	v41 =	vor.u32 v39, v51;
	_ =	sdelay $0x1  }
0x1f9: {  	s12 =	simm.s32 $0x0;
	v52 =	vadd.s32 v8, v30;
	v33 =	vld.idx.msk [tilespmem:v47+s16+$0x0], $0xffff;
	[tilespmem:s10+$0x20] =	vst v34  }
0x1fa: {  	v53 =	vadd.s32 v11, v28;
	s4 =	smul.u32 $0x3000, s12;
	v34 =	vor.u32 v32, v52;
	v35 =	vld.idx.msk [tilespmem:v35+s16+$0x0], $0xffff;
	[tilespmem:s3+$0x50] =	vst v37  }
0x1fb: {  	s13 =	simm.s32 $0x180;
	v54 =	vadd.s32 v14, v29;
	v37 =	vor.u32 v27, v53;
	v36 =	vld.idx.msk [tilespmem:v36+s16+$0x0], $0xffff;
	[tilespmem:s0+$0x10800] =	vst v50  }
0x1fc: {  	s6 =	sand.u32 $0x380, s13;
	v42 =	vadd.s32 v17, v40;
	v38 =	vor.u32 v31, v54;
	s4 =	sshra.s32 s4, $0x2;
	v41 =	vld.idx.msk [tilespmem:v41+s16+$0x0], $0xffff  }
0x1fd: {  	v42 =	vor.u32 v39, v42;
	s29 =	sor.u32 s6, s4  }
0x1fe: {  	[tilespmem:s29+$0x10400] =	vst v33  }
0x1ff: {  	s18 =	simm.s32 $0x4;
	v55 =	vadd.s32 v9, v30;
	v34 =	vld.idx.msk [tilespmem:v34+s16+$0x0], $0xffff;
	[tilespmem:s10+$0x30] =	vst v35  }
0x200: {  	v58 =	vmov s18;
	s13 =	sadd.s32 $0x10800, s0;
	v57 =	vadd.s32 v12, v28;
	v56 =	vor.u32 v32, v55;
	v35 =	vld.idx.msk [tilespmem:v37+s16+$0x0], $0xffff;
	[tilespmem:s3+$0x60] =	vst v36  }
0x201: {  	v60 =	vadd.s32 v15, v29;
	v59 =	vor.u32 v27, v57;
	v43 =	vshrl.u32 v58, $0x3;
	v38 =	vld.idx.msk [tilespmem:v38+s16+$0x0], $0xffff;
	[tilespmem:s13+$0x10] =	vst v41  }
0x202: {  	v45 =	vadd.s32 v18, v40;
	v44 =	vor.u32 v31, v60;
	v33 =	vmul.u32 $0x1400, v43;
	v42 =	vld.idx.msk [tilespmem:v42+s16+$0x0], $0xffff  }
0x203: {  	v61 =	vor.u32 v39, v45;
	s6 =	sadd.s32 $0x10400, s29;
	v37 =	vshll.u32 v58, $0x7  }
0x204: {  	v62 =	vadd.s32 v7, v33;
	[tilespmem:s6+$0x10] =	vst v34;
	v34 =	vand.u32 $0x380, v37  }
0x205: {  	v47 =	vadd.s32 v10, v30;
	v36 =	vld.idx.msk [tilespmem:v56+s16+$0x0], $0xffff;
	[tilespmem:s10+$0x40] =	vst v35;
	v63 =	vor.u32 v34, v62  }
0x206: {  	v48 =	vadd.s32 v13, v28;
	v37 =	vor.u32 v32, v47;
	v41 =	vld.idx.msk [tilespmem:v59+s16+$0x0], $0xffff;
	[tilespmem:s3+$0x70] =	vst v38  }
0x207: {  	v49 =	vadd.s32 v16, v29;
	v38 =	vor.u32 v27, v48;
	v44 =	vld.idx.msk [tilespmem:v44+s16+$0x0], $0xffff;
	[tilespmem:s13+$0x20] =	vst v42  }
0x208: {  	v50 =	vadd.s32 v19, v40;
	v42 =	vor.u32 v31, v49;
	v43 =	vld.idx.msk [tilespmem:v61+s16+$0x0], $0xffff  }
0x209: {  	v45 =	vor.u32 v39, v50  }
0x20a: {  	s22 =	simm.s32 $0x0;
	v51 =	vadd.s32 v8, v33;
	v35 =	vld.idx.msk [tilespmem:v63+s16+$0x0], $0xffff;
	[tilespmem:s6+$0x20] =	vst v36  }
0x20b: {  	v52 =	vadd.s32 v11, v30;
	s3 =	smul.u32 $0x3000, s22;
	v36 =	vor.u32 v34, v51;
	v37 =	vld.idx.msk [tilespmem:v37+s16+$0x0], $0xffff;
	[tilespmem:s10+$0x50] =	vst v41  }
0x20c: {  	s23 =	simm.s32 $0x200;
	v53 =	vadd.s32 v14, v28;
	v41 =	vor.u32 v32, v52;
	v38 =	vld.idx.msk [tilespmem:v38+s16+$0x0], $0xffff;
	[tilespmem:s30+$0x10800] =	vst v44  }
0x20d: {  	v55 =	vadd.s32 v17, v29;
	s4 =	sand.u32 $0x380, s23;
	v54 =	vor.u32 v27, v53;
	s3 =	sshra.s32 s3, $0x2;
	v42 =	vld.idx.msk [tilespmem:v42+s16+$0x0], $0xffff;
	[tilespmem:s13+$0x30] =	vst v43  }
0x20e: {  	v46 =	vadd.s32 v20, v40;
	s31 =	sor.u32 s4, s3;
	v44 =	vor.u32 v31, v55;
	v45 =	vld.idx.msk [tilespmem:v45+s16+$0x0], $0xffff  }
0x20f: {  	v46 =	vor.u32 v39, v46;
	[tilespmem:s31+$0x10400] =	vst v35  }
0x210: {  	v56 =	vadd.s32 v9, v33;
	s4 =	simm.s32 $0x5;
	v36 =	vld.idx.msk [tilespmem:v36+s16+$0x0], $0xffff;
	[tilespmem:s6+$0x30] =	vst v37  }
0x211: {  	s7 =	sadd.s32 $0x10800, s30;
	v58 =	vadd.s32 v12, v30;
	v57 =	vor.u32 v34, v56;
	v59 =	vmov s4;
	v37 =	vld.idx.msk [tilespmem:v41+s16+$0x0], $0xffff;
	[tilespmem:s10+$0x60] =	vst v38  }
0x212: {  	v60 =	vor.u32 v32, v58;
	v61 =	vadd.s32 v15, v28;
	v47 =	vshrl.u32 v59, $0x3;
	v43 =	vld.idx.msk [tilespmem:v54+s16+$0x0], $0xffff;
	[tilespmem:s7+$0x10] =	vst v42  }
0x213: {  	v48 =	vadd.s32 v18, v29;
	v62 =	vor.u32 v27, v61;
	v35 =	vmul.u32 $0x1400, v47;
	v44 =	vld.idx.msk [tilespmem:v44+s16+$0x0], $0xffff;
	[tilespmem:s13+$0x40] =	vst v45  }
0x214: {  	s12 =	sadd.s32 $0x10400, s31;
	v63 =	vor.u32 v31, v48;
	v52 =	vadd.s32 v21, v40;
	v41 =	vshll.u32 v59, $0x7;
	v46 =	vld.idx.msk [tilespmem:v46+s16+$0x0], $0xffff  }
0x215: {  	v48 =	vor.u32 v39, v52;
	v53 =	vadd.s32 v7, v35;
	[tilespmem:s12+$0x10] =	vst v36;
	v36 =	vand.u32 $0x380, v41  }
0x216: {  	v55 =	vadd.s32 v10, v33;
	v38 =	vld.idx.msk [tilespmem:v57+s16+$0x0], $0xffff;
	[tilespmem:s6+$0x40] =	vst v37;
	v54 =	vor.u32 v36, v53  }
0x217: {  	v56 =	vadd.s32 v13, v30;
	v41 =	vor.u32 v34, v55;
	v42 =	vld.idx.msk [tilespmem:v60+s16+$0x0], $0xffff;
	[tilespmem:s10+$0x70] =	vst v43  }
0x218: {  	v57 =	vadd.s32 v16, v28;
	v43 =	vor.u32 v32, v56;
	v45 =	vld.idx.msk [tilespmem:v62+s16+$0x0], $0xffff;
	[tilespmem:s7+$0x20] =	vst v44  }
0x219: {  	v58 =	vadd.s32 v19, v29;
	v44 =	vor.u32 v27, v57;
	v47 =	vld.idx.msk [tilespmem:v63+s16+$0x0], $0xffff;
	[tilespmem:s13+$0x50] =	vst v46  }
0x21a: {  	v49 =	vadd.s32 v22, v40;
	v46 =	vor.u32 v31, v58;
	v48 =	vld.idx.msk [tilespmem:v48+s16+$0x0], $0xffff  }
0x21b: {  	v59 =	vor.u32 v39, v49;
	s10 =	simm.s32 $0x0;
	v60 =	vadd.s32 v8, v35;
	v37 =	vld.idx.msk [tilespmem:v54+s16+$0x0], $0xffff;
	[tilespmem:s12+$0x20] =	vst v38  }
0x21c: {  	s2 =	smul.u32 $0x3000, s10;
	v61 =	vor.u32 v36, v60;
	v62 =	vadd.s32 v11, v33;
	v41 =	vld.idx.msk [tilespmem:v41+s16+$0x0], $0xffff;
	[tilespmem:s6+$0x50] =	vst v42  }
0x21d: {  	s18 =	simm.s32 $0x280;
	v52 =	vadd.s32 v14, v30;
	v63 =	vor.u32 v34, v62;
	v43 =	vld.idx.msk [tilespmem:v43+s16+$0x0], $0xffff;
	[tilespmem:s28+$0x10800] =	vst v45  }
0x21e: {  	s3 =	sand.u32 $0x380, s18;
	v53 =	vor.u32 v32, v52;
	s2 =	sshra.s32 s2, $0x2;
	v54 =	vadd.s32 v17, v28;
	v44 =	vld.idx.msk [tilespmem:v44+s16+$0x0], $0xffff;
	[tilespmem:s7+$0x30] =	vst v47  }
0x21f: {  	v57 =	vadd.s32 v20, v29;
	s3 =	sor.u32 s3, s2;
	v55 =	vor.u32 v27, v54;
	v46 =	vld.idx.msk [tilespmem:v46+s16+$0x0], $0xffff;
	[tilespmem:s13+$0x60] =	vst v48  }
0x220: {  	v58 =	vor.u32 v31, v57;
	v38 =	vld.idx.msk [tilespmem:v59+s16+$0x0], $0xffff;
	[tilespmem:s3+$0x10400] =	vst v37;
	v59 =	vadd.s32 v23, v40  }
0x221: {  	v56 =	vadd.s32 v9, v35;
	v42 =	vld.idx.msk [tilespmem:v61+s16+$0x0], $0xffff;
	[tilespmem:s12+$0x30] =	vst v41;
	v60 =	vor.u32 v39, v59  }
0x222: {  	s22 =	simm.s32 $0x6;
	v57 =	vor.u32 v36, v56;
	s2 =	sadd.s32 $0x10800, s28;
	v61 =	vadd.s32 v12, v33;
	v45 =	vld.idx.msk [tilespmem:v63+s16+$0x0], $0xffff;
	[tilespmem:s6+$0x60] =	vst v43  }
0x223: {  	v50 =	vadd.s32 v15, v30;
	v62 =	vmov s22;
	v49 =	vor.u32 v34, v61;
	v47 =	vld.idx.msk [tilespmem:v53+s16+$0x0], $0xffff;
	[tilespmem:s2+$0x10] =	vst v44  }
0x224: {  	v50 =	vor.u32 v32, v50;
	v51 =	vadd.s32 v18, v28;
	v63 =	vshrl.u32 v62, $0x3;
	v48 =	vld.idx.msk [tilespmem:v55+s16+$0x0], $0xffff;
	[tilespmem:s7+$0x40] =	vst v46  }
0x225: {  	v54 =	vor.u32 v27, v51;
	v37 =	vmul.u32 $0x1400, v63;
	v52 =	vld.idx.msk [tilespmem:v58+s16+$0x0], $0xffff;
	[tilespmem:s13+$0x70] =	vst v38;
	s13 =	sadd.s32 $0x10400, s3;
	v58 =	vadd.s32 v21, v29  }
0x226: {  	v59 =	vadd.s32 v24, v40;
	v44 =	vshll.u32 v62, $0x7;
	v41 =	vld.idx.msk [tilespmem:v60+s16+$0x0], $0xffff;
	[tilespmem:s13+$0x10] =	vst v42;
	v42 =	vor.u32 v31, v58  }
0x227: {  	v61 =	vor.u32 v39, v59;
	v38 =	vand.u32 $0x380, v44;
	v60 =	vadd.s32 v7, v37;
	v43 =	vld.idx.msk [tilespmem:v57+s16+$0x0], $0xffff;
	[tilespmem:s12+$0x40] =	vst v45  }
0x228: {  	v62 =	vadd.s32 v10, v35;
	v44 =	vor.u32 v38, v60;
	v49 =	vld.idx.msk [tilespmem:v49+s16+$0x0], $0xffff;
	[tilespmem:s6+$0x70] =	vst v47  }
0x229: {  	v63 =	vor.u32 v36, v62;
	v55 =	vadd.s32 v13, v33;
	v50 =	vld.idx.msk [tilespmem:v50+s16+$0x0], $0xffff;
	[tilespmem:s2+$0x20] =	vst v48  }
0x22a: {  	v56 =	vor.u32 v34, v55;
	v57 =	vadd.s32 v16, v30;
	v46 =	vld.idx.msk [tilespmem:v54+s16+$0x0], $0xffff;
	[tilespmem:s7+$0x50] =	vst v52  }
0x22b: {  	v58 =	vadd.s32 v19, v28;
	v51 =	vor.u32 v32, v57;
	v42 =	vld.idx.msk [tilespmem:v42+s16+$0x0], $0xffff;
	[tilespmem:s0+$0x10C00] =	vst v41  }
0x22c: {  	v59 =	vor.u32 v27, v58;
	v60 =	vadd.s32 v22, v29;
	v45 =	vld.idx.msk [tilespmem:v61+s16+$0x0], $0xffff  }
0x22d: {  	v44 =	vld.idx.msk [tilespmem:v44+s16+$0x0], $0xffff;
	[tilespmem:s13+$0x20] =	vst v43;
	v43 =	vor.u32 v31, v60;
	v61 =	vadd.s32 v25, v40  }
0x22e: {  	s23 =	simm.s32 $0x0;
	v53 =	vadd.s32 v8, v37;
	v47 =	vld.idx.msk [tilespmem:v63+s16+$0x0], $0xffff;
	[tilespmem:s12+$0x50] =	vst v49;
	v49 =	vor.u32 v39, v61  }
0x22f: {  	s4 =	smul.u32 $0x3000, s23;
	v62 =	vadd.s32 v11, v35;
	v52 =	vor.u32 v38, v53;
	v54 =	vld.idx.msk [tilespmem:v56+s16+$0x0], $0xffff;
	[tilespmem:s29+$0x10800] =	vst v50  }
0x230: {  	s6 =	simm.s32 $0x300;
	v63 =	vor.u32 v36, v62;
	v56 =	vadd.s32 v14, v33;
	v51 =	vld.idx.msk [tilespmem:v51+s16+$0x0], $0xffff;
	[tilespmem:s2+$0x30] =	vst v46  }
0x231: {  	s23 =	sadd.s32 $0x10C00, s0;
	s4 =	sshra.s32 s4, $0x2;
	v58 =	vadd.s32 v17, v30;
	s10 =	sand.u32 $0x380, s6;
	v57 =	vor.u32 v34, v56;
	v59 =	vld.idx.msk [tilespmem:v59+s16+$0x0], $0xffff;
	[tilespmem:s7+$0x60] =	vst v42  }
0x232: {  	v55 =	vor.u32 v32, v58;
	s0 =	sor.u32 s10, s4;
	v60 =	vadd.s32 v20, v28;
	v43 =	vld.idx.msk [tilespmem:v43+s16+$0x0], $0xffff;
	[tilespmem:s23+$0x10] =	vst v45  }
0x233: {  	v61 =	vadd.s32 v23, v29;
	[tilespmem:s0+$0x10400] =	vst v44;
	v45 =	vor.u32 v27, v60;
	v44 =	vld.idx.msk [tilespmem:v49+s16+$0x0], $0xffff  }
0x234: {  	v40 =	vadd.s32 v26, v40;
	v41 =	vor.u32 v31, v61;
	v49 =	vld.idx.msk [tilespmem:v52+s16+$0x0], $0xffff;
	[tilespmem:s13+$0x30] =	vst v47  }
0x235: {  	s22 =	sadd.s32 $0x10800, s29;
	v62 =	vadd.s32 v9, v37;
	v42 =	vor.u32 v39, v40;
	v48 =	vld.idx.msk [tilespmem:v63+s16+$0x0], $0xffff;
	[tilespmem:s12+$0x60] =	vst v54  }
0x236: {  	s4 =	simm.s32 $0x7;
	v52 =	vor.u32 v38, v62;
	v63 =	vadd.s32 v12, v35;
	v47 =	vld.idx.msk [tilespmem:v57+s16+$0x0], $0xffff;
	[tilespmem:s22+$0x10] =	vst v51  }
0x237: {  	s10 =	simm.s32 $0x8;
	v39 =	vmov s4;
	v50 =	vor.u32 v36, v63;
	v51 =	vadd.s32 v15, v33;
	v46 =	vld.idx.msk [tilespmem:v55+s16+$0x0], $0xffff;
	[tilespmem:s2+$0x40] =	vst v59  }
.LBB2_11:
0x238: {  	p0 =	sne.s32 s10, $0x27;
	v40 =	vshrl.u32 v39, $0x3;
	v51 =	vor.u32 v34, v51;
	v53 =	vadd.s32 v18, v30;
	v45 =	vld.idx.msk [tilespmem:v45+s16+$0x0], $0xffff;
	[tilespmem:s7+$0x70] =	vst v43;
	s7 =	smov.u32 s2;
	s2 =	smov.u32 s22  }
0x239: {  	s22 =	sadd.s32 $0x10400, s0;
	v40 =	vmul.u32 $0x1400, v40;
	v43 =	vor.u32 v32, v53;
	v53 =	vadd.s32 v21, v28;
	v41 =	vld.idx.msk [tilespmem:v41+s16+$0x0], $0xffff;
	[tilespmem:s23+$0x20] =	vst v44  }
0x23a: {  	v39 =	vshll.u32 v39, $0x7;
	[tilespmem:s22+$0x10] =	vst v49;
	v44 =	vor.u32 v27, v53;
	v49 =	vadd.s32 v24, v29;
	v42 =	vld.idx.msk [tilespmem:v42+s16+$0x0], $0xffff  }
0x23b: {  	v39 =	vand.u32 $0x380, v39;
	v53 =	vadd.s32 v7, v40;
	v52 =	vld.idx.msk [tilespmem:v52+s16+$0x0], $0xffff;
	[tilespmem:s13+$0x40] =	vst v48;
	v48 =	vor.u32 v31, v49  }
0x23c: {  	v54 =	vmov v35;
	v49 =	vor.u32 v39, v53;
	v53 =	vadd.s32 v10, v37;
	v50 =	vld.idx.msk [tilespmem:v50+s16+$0x0], $0xffff;
	[tilespmem:s12+$0x70] =	vst v47;
	s12 =	smov.u32 s13;
	s13 =	smov.u32 s22  }
0x23d: {  	v35 =	vmov v37;
	v56 =	vadd.s32 v13, v54;
	v47 =	vor.u32 v38, v53;
	v51 =	vld.idx.msk [tilespmem:v51+s16+$0x0], $0xffff;
	[tilespmem:s2+$0x20] =	vst v46  }
0x23e: {  	v55 =	vadd.s32 v16, v33;
	v37 =	vmov v40;
	v46 =	vor.u32 v36, v56;
	v43 =	vld.idx.msk [tilespmem:v43+s16+$0x0], $0xffff;
	[tilespmem:s7+$0x50] =	vst v45  }
0x23f: {  	v40 =	vor.u32 v34, v55;
	v45 =	vadd.s32 v19, v30;
	v44 =	vld.idx.msk [tilespmem:v44+s16+$0x0], $0xffff;
	[tilespmem:s30+$0x10C00] =	vst v41;
	v53 =	vmov v31  }
0x240: {  	v41 =	vor.u32 v32, v45;
	v45 =	vadd.s32 v22, v28;
	v31 =	vmov v27;
	v48 =	vld.idx.msk [tilespmem:v48+s16+$0x0], $0xffff;
	[tilespmem:s23+$0x30] =	vst v42  }
0x241: {  	v27 =	vmov v32;
	v45 =	vor.u32 v31, v45;
	v42 =	vld.idx.msk [tilespmem:v49+s16+$0x0], $0xffff;
	[tilespmem:s13+$0x20] =	vst v52;
	v49 =	vadd.s32 v25, v29  }
0x242: {  	s22 =	sshrl.u32 s4, $0x3;
	s4 =	smov.u32 s10;
	v32 =	vmov v34;
	v52 =	vadd.s32 v8, v37;
	v47 =	vld.idx.msk [tilespmem:v47+s16+$0x0], $0xffff;
	[tilespmem:s12+$0x50] =	vst v50;
	v49 =	vor.u32 v53, v49  }
0x243: {  	s22 =	smul.u32 $0x3000, s22;
	v34 =	vmov v36;
	v50 =	vor.u32 v39, v52;
	v52 =	vadd.s32 v11, v35;
	v46 =	vld.idx.msk [tilespmem:v46+s16+$0x0], $0xffff;
	[tilespmem:s31+$0x10800] =	vst v51  }
0x244: {  	s6 =	sadd.s32 $0x80, s6;
	v36 =	vmov v38;
	v51 =	vor.u32 v38, v52;
	v52 =	vadd.s32 v14, v54;
	v40 =	vld.idx.msk [tilespmem:v40+s16+$0x0], $0xffff;
	[tilespmem:s2+$0x30] =	vst v43  }
0x245: {  	s18 =	sand.u32 $0x380, s6;
	s22 =	sshra.s32 s22, $0x2;
	s23 =	sadd.s32 $0x10C00, s30;
	v38 =	vmov v39;
	v55 =	vor.u32 v34, v52;
	v43 =	vadd.s32 v17, v33;
	v56 =	vld.idx.msk [tilespmem:v41+s16+$0x0], $0xffff;
	[tilespmem:s7+$0x60] =	vst v44  }
0x246: {  	s18 =	sor.u32 s18, s22;
	s30 =	smov.u32 s28;
	s28 =	smov.u32 s29;
	v39 =	vadd.s32 v20, v30;
	v57 =	vor.u32 v32, v43;
	v43 =	vld.idx.msk [tilespmem:v45+s16+$0x0], $0xffff;
	[tilespmem:s23+$0x10] =	vst v48  }
.Ltmp7:
0x247: {  	s29 =	smov.u32 s31;
	s31 =	smov.u32 s3;
	v45 =	vor.u32 v27, v39;
	v39 =	vadd.s32 v23, v28;
	[tilespmem:s18+$0x10400] =	vst v42;
	v44 =	vld.idx.msk [tilespmem:v49+s16+$0x0], $0xffff;
	(pc) =	sbr.rel @p0 .LBB2_11-.Ltmp7, $4  }
0x248: {  	s3 =	smov.u32 s0;
	s0 =	smov.u32 s18;
	v41 =	vor.u32 v31, v39;
	v39 =	vadd.s32 v26, v29;
	v29 =	vmov v28;
	v49 =	vld.idx.msk [tilespmem:v50+s16+$0x0], $0xffff;
	[tilespmem:s13+$0x30] =	vst v47  }
0x249: {  	s22 =	sadd.s32 $0x10800, s29;
	v28 =	vmov v30;
	v47 =	vadd.s32 v9, v37;
	v42 =	vor.u32 v53, v39;
	v48 =	vld.idx.msk [tilespmem:v51+s16+$0x0], $0xffff;
	[tilespmem:s12+$0x60] =	vst v46  }
0x24a: {  	v30 =	vmov v33;
	v52 =	vor.u32 v38, v47;
	v46 =	vadd.s32 v12, v35;
	v47 =	vld.idx.msk [tilespmem:v55+s16+$0x0], $0xffff;
	[tilespmem:s22+$0x10] =	vst v40  }
0x24b: {  	s10 =	sadd.s32 $0x1, s10;
	v33 =	vmovc v54;
	v39 =	vmov s4;
	v51 =	vadd.s32 v15, v54;
	v50 =	vor.u32 v36, v46;
	v46 =	vld.idx.msk [tilespmem:v57+s16+$0x0], $0xffff;
	[tilespmem:s2+$0x40] =	vst v56  }
0x24c: {  	v40 =	vshrl.u32 v39, $0x3  }
0x24d: {  	v40 =	vmul.u32 $0x1400, v40  }
0x24e: {  	v58 =	vshll.u32 v39, $0x7  }
0x24f: {  	v39 =	vand.u32 $0x380, v58;
	v53 =	vadd.s32 v7, v40  }
0x250: {  	v53 =	vor.u32 v39, v53;
	_ =	sdelay $0x4  }
0x251: {  	s4 =	sshrl.u32 s4, $0x3;
	v54 =	vadd.s32 v8, v40;
	v53 =	vld.idx.msk [tilespmem:v53+s16+$0x0], $0xffff  }
0x252: {  	s4 =	smul.u32 $0x3000, s4;
	v54 =	vor.u32 v39, v54  }
0x253: {  	s6 =	sadd.s32 $0x80, s6  }
0x254: {  	s6 =	sand.u32 $0x380, s6;
	s4 =	sshra.s32 s4, $0x2  }
0x255: {  	s6 =	sor.u32 s6, s4  }
0x256: {  	s10 =	sadd.s32 $0x10400, s0;
	[tilespmem:s6+$0x10400] =	vst v53  }
0x257: {  	[tilespmem:s10+$0x10] =	vst v49;
	v59 =	vadd.s32 v9, v40;
	v53 =	vld.idx.msk [tilespmem:v54+s16+$0x0], $0xffff  }
0x258: {  	v60 =	vadd.s32 v10, v37;
	v49 =	vld.idx.msk [tilespmem:v52+s16+$0x0], $0xffff;
	v54 =	vor.u32 v39, v59  }
0x259: {  	v52 =	vor.u32 v38, v60;
	_ =	sdelay $0x1  }
0x25a: {  	s4 =	sadd.s32 $0x10400, s6  }
0x25b: {  	[tilespmem:s4+$0x10] =	vst v53  }
0x25c: {  	v61 =	vadd.s32 v10, v40;
	[tilespmem:s10+$0x20] =	vst v49;
	v53 =	vld.idx.msk [tilespmem:v54+s16+$0x0], $0xffff  }
0x25d: {  	v62 =	vadd.s32 v11, v37;
	v49 =	vld.idx.msk [tilespmem:v52+s16+$0x0], $0xffff;
	v54 =	vor.u32 v39, v61  }
0x25e: {  	v52 =	vor.u32 v38, v62;
	_ =	sdelay $0x2  }
0x25f: {  	[tilespmem:s4+$0x20] =	vst v53  }
0x260: {  	v63 =	vadd.s32 v11, v40;
	[tilespmem:s10+$0x30] =	vst v49;
	v53 =	vld.idx.msk [tilespmem:v54+s16+$0x0], $0xffff  }
0x261: {  	v57 =	vadd.s32 v12, v37;
	v49 =	vld.idx.msk [tilespmem:v52+s16+$0x0], $0xffff;
	v54 =	vor.u32 v39, v63  }
0x262: {  	v52 =	vor.u32 v38, v57;
	_ =	sdelay $0x2  }
0x263: {  	[tilespmem:s4+$0x30] =	vst v53  }
0x264: {  	v58 =	vadd.s32 v12, v40;
	[tilespmem:s10+$0x40] =	vst v49;
	v53 =	vld.idx.msk [tilespmem:v54+s16+$0x0], $0xffff  }
0x265: {  	[tilespmem:s13+$0x40] =	vst v48;
	v62 =	vadd.s32 v13, v37;
	v61 =	vld.idx.msk [tilespmem:v52+s16+$0x0], $0xffff;
	v54 =	vor.u32 v39, v58  }
0x266: {  	v48 =	vld.idx.msk [tilespmem:v50+s16+$0x0], $0xffff;
	v59 =	vadd.s32 v13, v35;
	v52 =	vor.u32 v38, v62  }
0x267: {  	v60 =	vor.u32 v36, v59;
	_ =	sdelay $0x1  }
0x268: {  	[tilespmem:s4+$0x40] =	vst v53  }
0x269: {  	[tilespmem:s10+$0x50] =	vst v61;
	v63 =	vadd.s32 v13, v40;
	v53 =	vld.idx.msk [tilespmem:v54+s16+$0x0], $0xffff  }
0x26a: {  	v56 =	vadd.s32 v14, v37;
	[tilespmem:s13+$0x50] =	vst v48;
	v50 =	vld.idx.msk [tilespmem:v52+s16+$0x0], $0xffff;
	v54 =	vor.u32 v39, v63  }
0x26b: {  	v55 =	vadd.s32 v14, v35;
	v48 =	vld.idx.msk [tilespmem:v60+s16+$0x0], $0xffff;
	v52 =	vor.u32 v38, v56  }
0x26c: {  	v49 =	vor.u32 v36, v55;
	_ =	sdelay $0x1  }
0x26d: {  	[tilespmem:s4+$0x50] =	vst v53  }
0x26e: {  	v57 =	vadd.s32 v14, v40;
	[tilespmem:s10+$0x60] =	vst v50;
	v58 =	vor.u32 v34, v51;
	v53 =	vld.idx.msk [tilespmem:v54+s16+$0x0], $0xffff  }
0x26f: {  	v62 =	vadd.s32 v15, v37;
	[tilespmem:s13+$0x60] =	vst v48;
	v61 =	vld.idx.msk [tilespmem:v52+s16+$0x0], $0xffff;
	v54 =	vor.u32 v39, v57  }
0x270: {  	v59 =	vadd.s32 v15, v35;
	v49 =	vld.idx.msk [tilespmem:v49+s16+$0x0], $0xffff;
	v52 =	vor.u32 v38, v62  }
0x271: {  	[tilespmem:s7+$0x70] =	vst v43;
	v60 =	vor.u32 v36, v59  }
0x272: {  	v45 =	vld.idx.msk [tilespmem:v45+s16+$0x0], $0xffff;
	[tilespmem:s12+$0x70] =	vst v47  }
0x273: {  	v47 =	vld.idx.msk [tilespmem:v58+s16+$0x0], $0xffff;
	v57 =	vadd.s32 v16, v33;
	[tilespmem:s4+$0x60] =	vst v53  }
0x274: {  	[tilespmem:s10+$0x70] =	vst v61;
	v63 =	vadd.s32 v15, v40;
	v48 =	vor.u32 v34, v57;
	v53 =	vld.idx.msk [tilespmem:v54+s16+$0x0], $0xffff  }
0x275: {  	v59 =	vadd.s32 v16, v37;
	[tilespmem:s13+$0x70] =	vst v49;
	v51 =	vld.idx.msk [tilespmem:v52+s16+$0x0], $0xffff;
	v54 =	vor.u32 v39, v63  }
0x276: {  	[tilespmem:s23+$0x20] =	vst v44;
	v49 =	vld.idx.msk [tilespmem:v60+s16+$0x0], $0xffff;
	v60 =	vor.u32 v38, v59  }
0x277: {  	v41 =	vld.idx.msk [tilespmem:v41+s16+$0x0], $0xffff;
	[tilespmem:s22+$0x20] =	vst v46  }
0x278: {  	v58 =	vadd.s32 v16, v35;
	[tilespmem:s31+$0x10800] =	vst v47  }
0x279: {  	v50 =	vor.u32 v36, v58;
	v47 =	vld.idx.msk [tilespmem:v48+s16+$0x0], $0xffff;
	[tilespmem:s4+$0x70] =	vst v53;
	v53 =	vadd.s32 v17, v33  }
0x27a: {  	v62 =	vadd.s32 v16, v40;
	[tilespmem:s0+$0x10800] =	vst v51;
	v61 =	vld.idx.msk [tilespmem:v54+s16+$0x0], $0xffff;
	v48 =	vor.u32 v34, v53  }
0x27b: {  	[tilespmem:s2+$0x50] =	vst v45;
	v55 =	vadd.s32 v17, v37;
	v43 =	vld.idx.msk [tilespmem:v60+s16+$0x0], $0xffff;
	v63 =	vor.u32 v39, v62  }
0x27c: {  	[tilespmem:s30+$0x10C00] =	vst v41;
	v46 =	vor.u32 v38, v55;
	v57 =	vadd.s32 v18, v30  }
0x27d: {  	s7 =	sadd.s32 $0x10800, s31;
	[tilespmem:s3+$0x10800] =	vst v49;
	v59 =	vor.u32 v32, v57  }
0x27e: {  	v49 =	vld.idx.msk [tilespmem:v50+s16+$0x0], $0xffff;
	[tilespmem:s7+$0x10] =	vst v47;
	v54 =	vadd.s32 v17, v35  }
0x27f: {  	s13 =	sadd.s32 $0x10800, s0;
	v50 =	vor.u32 v36, v54;
	[tilespmem:s6+$0x10800] =	vst v61;
	v48 =	vld.idx.msk [tilespmem:v48+s16+$0x0], $0xffff;
	v61 =	vadd.s32 v18, v33  }
0x280: {  	v56 =	vadd.s32 v17, v40;
	[tilespmem:s13+$0x10] =	vst v43;
	v44 =	vld.idx.msk [tilespmem:v63+s16+$0x0], $0xffff;
	v62 =	vor.u32 v34, v61  }
0x281: {  	v58 =	vor.u32 v39, v56;
	v56 =	vadd.s32 v18, v37;
	v60 =	vadd.s32 v21, v28;
	v46 =	vld.idx.msk [tilespmem:v46+s16+$0x0], $0xffff  }
0x282: {  	s12 =	sadd.s32 $0x10800, s3;
	v41 =	vor.u32 v38, v56;
	v51 =	vld.idx.msk [tilespmem:v59+s16+$0x0], $0xffff;
	v47 =	vor.u32 v27, v60;
	v60 =	vadd.s32 v19, v30  }
0x283: {  	v42 =	vld.idx.msk [tilespmem:v42+s16+$0x0], $0xffff;
	[tilespmem:s12+$0x10] =	vst v49;
	v61 =	vor.u32 v32, v60  }
0x284: {  	s10 =	sadd.s32 $0x10800, s6;
	v50 =	vld.idx.msk [tilespmem:v50+s16+$0x0], $0xffff;
	v63 =	vadd.s32 v18, v35;
	[tilespmem:s7+$0x20] =	vst v48  }
0x285: {  	v43 =	vor.u32 v36, v63;
	[tilespmem:s10+$0x10] =	vst v44;
	v49 =	vld.idx.msk [tilespmem:v62+s16+$0x0], $0xffff;
	v62 =	vadd.s32 v19, v33  }
0x286: {  	v57 =	vadd.s32 v18, v40;
	[tilespmem:s13+$0x20] =	vst v46;
	v44 =	vld.idx.msk [tilespmem:v58+s16+$0x0], $0xffff;
	v63 =	vor.u32 v34, v62  }
0x287: {  	v59 =	vor.u32 v39, v57;
	v41 =	vld.idx.msk [tilespmem:v41+s16+$0x0], $0xffff;
	[tilespmem:s22+$0x30] =	vst v51;
	v58 =	vadd.s32 v24, v29  }
0x288: {  	[tilespmem:s23+$0x30] =	vst v42;
	v48 =	vld.idx.msk [tilespmem:v61+s16+$0x0], $0xffff;
	v61 =	vadd.s32 v20, v30;
	v45 =	vor.u32 v31, v58  }
0x289: {  	v47 =	vld.idx.msk [tilespmem:v47+s16+$0x0], $0xffff;
	[tilespmem:s12+$0x20] =	vst v50;
	v62 =	vor.u32 v32, v61  }
0x28a: {  	v56 =	vadd.s32 v19, v35;
	v43 =	vld.idx.msk [tilespmem:v43+s16+$0x0], $0xffff;
	[tilespmem:s7+$0x30] =	vst v49  }
0x28b: {  	v57 =	vadd.s32 v19, v37;
	v46 =	vor.u32 v36, v56;
	[tilespmem:s10+$0x20] =	vst v44;
	v50 =	vld.idx.msk [tilespmem:v63+s16+$0x0], $0xffff  }
0x28c: {  	[tilespmem:s13+$0x30] =	vst v41;
	v58 =	vadd.s32 v19, v40;
	v44 =	vor.u32 v38, v57;
	v42 =	vld.idx.msk [tilespmem:v59+s16+$0x0], $0xffff  }
0x28d: {  	v60 =	vor.u32 v39, v58;
	[tilespmem:s22+$0x40] =	vst v48;
	v63 =	vadd.s32 v20, v33;
	v45 =	vld.idx.msk [tilespmem:v45+s16+$0x0], $0xffff  }
0x28e: {  	[tilespmem:s2+$0x60] =	vst v47;
	v49 =	vld.idx.msk [tilespmem:v62+s16+$0x0], $0xffff;
	v62 =	vadd.s32 v21, v30;
	v56 =	vor.u32 v34, v63  }
0x28f: {  	[tilespmem:s12+$0x30] =	vst v43;
	v59 =	vadd.s32 v22, v28;
	v63 =	vor.u32 v32, v62  }
0x290: {  	v57 =	vadd.s32 v20, v35;
	v46 =	vld.idx.msk [tilespmem:v46+s16+$0x0], $0xffff;
	v51 =	vor.u32 v27, v59;
	[tilespmem:s7+$0x40] =	vst v50  }
0x291: {  	s18 =	sadd.s32 $0x10C00, s30;
	v58 =	vor.u32 v36, v57;
	v59 =	vadd.s32 v20, v37;
	v44 =	vld.idx.msk [tilespmem:v44+s16+$0x0], $0xffff;
	[tilespmem:s10+$0x30] =	vst v42  }
0x292: {  	[tilespmem:s18+$0x10] =	vst v45;
	v42 =	vor.u32 v38, v59;
	v45 =	vld.idx.msk [tilespmem:v60+s16+$0x0], $0xffff;
	v60 =	vadd.s32 v20, v40  }
0x293: {  	v61 =	vadd.s32 v25, v29;
	[tilespmem:s22+$0x50] =	vst v49;
	v43 =	vld.idx.msk [tilespmem:v56+s16+$0x0], $0xffff;
	v47 =	vor.u32 v39, v60  }
0x294: {  	v48 =	vor.u32 v31, v61;
	v50 =	vld.idx.msk [tilespmem:v63+s16+$0x0], $0xffff  }
0x295: {  	v54 =	vadd.s32 v26, v29;
	v56 =	vadd.s32 v21, v33;
	[tilespmem:s12+$0x40] =	vst v46;
	v51 =	vld.idx.msk [tilespmem:v51+s16+$0x0], $0xffff  }
0x296: {  	v57 =	vor.u32 v34, v56;
	v41 =	vld.idx.msk [tilespmem:v58+s16+$0x0], $0xffff;
	v58 =	vadd.s32 v21, v35;
	[tilespmem:s13+$0x40] =	vst v44  }
0x297: {  	v59 =	vor.u32 v36, v58;
	v60 =	vadd.s32 v21, v37;
	v42 =	vld.idx.msk [tilespmem:v42+s16+$0x0], $0xffff;
	[tilespmem:s10+$0x40] =	vst v45  }
0x298: {  	v61 =	vadd.s32 v21, v40;
	[tilespmem:s7+$0x50] =	vst v43;
	v45 =	vor.u32 v38, v60;
	v47 =	vld.idx.msk [tilespmem:v47+s16+$0x0], $0xffff  }
0x299: {  	v49 =	vor.u32 v39, v61;
	v63 =	vadd.s32 v22, v30;
	v48 =	vld.idx.msk [tilespmem:v48+s16+$0x0], $0xffff;
	[tilespmem:s22+$0x60] =	vst v50  }
0x29a: {  	v29 =	vor.u32 v31, v54;
	v62 =	vadd.s32 v23, v28;
	v56 =	vor.u32 v32, v63;
	[tilespmem:s2+$0x70] =	vst v51  }
0x29b: {  	v61 =	vadd.s32 v22, v37;
	v46 =	vld.idx.msk [tilespmem:v57+s16+$0x0], $0xffff;
	v57 =	vadd.s32 v22, v33;
	[tilespmem:s12+$0x50] =	vst v41  }
0x29c: {  	v58 =	vor.u32 v34, v57;
	v44 =	vld.idx.msk [tilespmem:v59+s16+$0x0], $0xffff;
	v59 =	vadd.s32 v22, v35;
	[tilespmem:s13+$0x50] =	vst v42  }
0x29d: {  	v63 =	vadd.s32 v22, v40;
	v60 =	vor.u32 v36, v59;
	v45 =	vld.idx.msk [tilespmem:v45+s16+$0x0], $0xffff;
	[tilespmem:s10+$0x50] =	vst v47  }
0x29e: {  	v51 =	vor.u32 v27, v62;
	[tilespmem:s18+$0x20] =	vst v48;
	v62 =	vor.u32 v38, v61;
	v48 =	vld.idx.msk [tilespmem:v49+s16+$0x0], $0xffff  }
0x29f: {  	v55 =	vld.idx.msk [tilespmem:v56+s16+$0x0], $0xffff;
	v49 =	vor.u32 v39, v63  }
0x2a0: {  	v56 =	vadd.s32 v23, v30;
	v29 =	vld.idx.msk [tilespmem:v29+s16+$0x0], $0xffff;
	[tilespmem:s7+$0x60] =	vst v46  }
0x2a1: {  	v43 =	vor.u32 v32, v56;
	v57 =	vadd.s32 v23, v33;
	v41 =	vld.idx.msk [tilespmem:v58+s16+$0x0], $0xffff;
	[tilespmem:s12+$0x60] =	vst v44  }
0x2a2: {  	v59 =	vadd.s32 v23, v35;
	v58 =	vor.u32 v34, v57;
	v42 =	vld.idx.msk [tilespmem:v60+s16+$0x0], $0xffff;
	[tilespmem:s13+$0x60] =	vst v45  }
0x2a3: {  	v60 =	vor.u32 v36, v59;
	v61 =	vld.idx.msk [tilespmem:v62+s16+$0x0], $0xffff;
	v62 =	vadd.s32 v23, v37;
	[tilespmem:s10+$0x60] =	vst v48  }
0x2a4: {  	[tilespmem:s22+$0x70] =	vst v55;
	v63 =	vadd.s32 v23, v40;
	v47 =	vor.u32 v38, v62;
	v48 =	vld.idx.msk [tilespmem:v49+s16+$0x0], $0xffff  }
0x2a5: {  	v52 =	vadd.s32 v24, v28;
	v51 =	vld.idx.msk [tilespmem:v51+s16+$0x0], $0xffff;
	[tilespmem:s18+$0x30] =	vst v29;
	v53 =	vor.u32 v39, v63  }
0x2a6: {  	v54 =	vor.u32 v27, v52;
	v55 =	vadd.s32 v24, v30;
	v43 =	vld.idx.msk [tilespmem:v43+s16+$0x0], $0xffff;
	[tilespmem:s7+$0x70] =	vst v41  }
0x2a7: {  	v56 =	vor.u32 v32, v55;
	v57 =	vadd.s32 v24, v33;
	v44 =	vld.idx.msk [tilespmem:v58+s16+$0x0], $0xffff;
	[tilespmem:s12+$0x70] =	vst v42  }
0x2a8: {  	v59 =	vadd.s32 v24, v35;
	v58 =	vor.u32 v34, v57;
	v45 =	vld.idx.msk [tilespmem:v60+s16+$0x0], $0xffff;
	[tilespmem:s13+$0x70] =	vst v61  }
0x2a9: {  	v60 =	vor.u32 v36, v59;
	v61 =	vadd.s32 v24, v37;
	v47 =	vld.idx.msk [tilespmem:v47+s16+$0x0], $0xffff;
	[tilespmem:s10+$0x70] =	vst v48  }
0x2aa: {  	v63 =	vadd.s32 v24, v40;
	[tilespmem:s28+$0x10C00] =	vst v51;
	v62 =	vor.u32 v38, v61;
	v31 =	vld.idx.msk [tilespmem:v53+s16+$0x0], $0xffff  }
0x2ab: {  	v52 =	vadd.s32 v25, v28;
	[tilespmem:s29+$0x10C00] =	vst v43;
	v49 =	vld.idx.msk [tilespmem:v54+s16+$0x0], $0xffff;
	v53 =	vor.u32 v39, v63  }
0x2ac: {  	v55 =	vadd.s32 v25, v30;
	v41 =	vld.idx.msk [tilespmem:v56+s16+$0x0], $0xffff;
	v54 =	vor.u32 v27, v52;
	[tilespmem:s31+$0x10C00] =	vst v44  }
0x2ad: {  	v56 =	vor.u32 v32, v55;
	v57 =	vadd.s32 v25, v33;
	v42 =	vld.idx.msk [tilespmem:v58+s16+$0x0], $0xffff;
	[tilespmem:s3+$0x10C00] =	vst v45  }
0x2ae: {  	v59 =	vadd.s32 v25, v35;
	v58 =	vor.u32 v34, v57;
	v46 =	vld.idx.msk [tilespmem:v60+s16+$0x0], $0xffff;
	[tilespmem:s0+$0x10C00] =	vst v47  }
0x2af: {  	s22 =	sadd.s32 $0x10C00, s28;
	v61 =	vadd.s32 v25, v37;
	v60 =	vor.u32 v36, v59;
	v29 =	vld.idx.msk [tilespmem:v62+s16+$0x0], $0xffff;
	[tilespmem:s6+$0x10C00] =	vst v31  }
0x2b0: {  	s23 =	sadd.s32 $0x10C00, s29;
	[tilespmem:s22+$0x10] =	vst v49;
	v63 =	vadd.s32 v25, v40;
	v62 =	vor.u32 v38, v61;
	v43 =	vld.idx.msk [tilespmem:v53+s16+$0x0], $0xffff  }
0x2b1: {  	v51 =	vadd.s32 v26, v28;
	s28 =	sadd.s32 $0x10C00, s31;
	[tilespmem:s23+$0x10] =	vst v41;
	v48 =	vld.idx.msk [tilespmem:v54+s16+$0x0], $0xffff;
	v52 =	vor.u32 v39, v63  }
0x2b2: {  	s29 =	sadd.s32 $0x10C00, s3;
	v27 =	vor.u32 v27, v51;
	v54 =	vadd.s32 v26, v30;
	[tilespmem:s28+$0x10] =	vst v42;
	v53 =	vld.idx.msk [tilespmem:v56+s16+$0x0], $0xffff  }
0x2b3: {  	s30 =	sadd.s32 $0x10C00, s0;
	v30 =	vor.u32 v32, v54;
	v55 =	vld.idx.msk [tilespmem:v58+s16+$0x0], $0xffff;
	[tilespmem:s29+$0x10] =	vst v46;
	v56 =	vadd.s32 v26, v33  }
0x2b4: {  	v58 =	vadd.s32 v26, v35;
	s6 =	sadd.s32 $0x10C00, s6;
	v57 =	vld.idx.msk [tilespmem:v60+s16+$0x0], $0xffff;
	v33 =	vor.u32 v34, v56;
	[tilespmem:s30+$0x10] =	vst v29  }
0x2b5: {  	v59 =	vor.u32 v36, v58;
	v60 =	vadd.s32 v26, v37;
	v31 =	vld.idx.msk [tilespmem:v62+s16+$0x0], $0xffff;
	[tilespmem:s6+$0x10] =	vst v43  }
0x2b6: {  	[tilespmem:s22+$0x20] =	vst v48;
	v35 =	vor.u32 v38, v60;
	v62 =	vadd.s32 v26, v40;
	v61 =	vld.idx.msk [tilespmem:v52+s16+$0x0], $0xffff  }
0x2b7: {  	v27 =	vld.idx.msk [tilespmem:v27+s16+$0x0], $0xffff;
	[tilespmem:s23+$0x20] =	vst v53;
	v63 =	vor.u32 v39, v62  }
0x2b8: {  	[tilespmem:s28+$0x20] =	vst v55;
	v30 =	vld.idx.msk [tilespmem:v30+s16+$0x0], $0xffff  }
0x2b9: {  	[tilespmem:s29+$0x20] =	vst v57;
	v32 =	vld.idx.msk [tilespmem:v33+s16+$0x0], $0xffff  }
0x2ba: {  	v29 =	vld.idx.msk [tilespmem:v59+s16+$0x0], $0xffff;
	[tilespmem:s30+$0x20] =	vst v31  }
0x2bb: {  	v31 =	vld.idx.msk [tilespmem:v35+s16+$0x0], $0xffff;
	[tilespmem:s6+$0x20] =	vst v61  }
0x2bc: {  	[tilespmem:s22+$0x30] =	vst v27;
	v27 =	vld.idx.msk [tilespmem:v63+s16+$0x0], $0xffff  }
0x2bd: {  	p0 =	seq.s32 s25, $0xF;
	[tilespmem:s23+$0x30] =	vst v30  }
.Ltmp8:
0x2be: {  	[tilespmem:s28+$0x30] =	vst v32;
	(pc) =	sbr.rel @p0 .LBB2_14-.Ltmp8, $4  }
0x2bf: {  	[tilespmem:s29+$0x30] =	vst v29  }
0x2c0: {  	[tilespmem:s30+$0x30] =	vst v31  }
0x2c1: {  	s31 =	sadd.s32 $0x780, s26;
	[tilespmem:s6+$0x30] =	vst v27  }
0x2c2: {  	[hbm4b:s31+s5] =	stream.linear.scatter [tilespmem:s21], [sflag:$0x4], $0x3C00, $0x38;
	[tilespmem:$0x14600] =	vst v63  }
0x2c3: {  	s0 =	smul.u32 $0x50, s25;
	_ =	sdelay $0x1  }
0x2c4: {  	s0 =	sadd.s32 s0, s11  }
.Ltmp9:
0x2c5: {  	s0 =	sshrl.u32 s0, $0x3;
	(pc) =	sbr.rel .LBB2_4-.Ltmp9, $3  }
0x2c6: {  	s0 =	smul.u32 $0x280, s0;
	_ =	sdelay $0x1  }
0x2c7: {  	s25 =	sadd.s32 $0x1, s25;
	s0 =	sadd.s32 s1, s0  }
0x2c8: {  	[tilespmem:s16], [sflag:$0x2] =	stream.linear.gather [hbm4b:s0+s5], $0x6400, $0x38;
	[tilespmem:$0x14600] =	vst v63  }
.LBB2_15:
0x2c9: {  	_ =	sfence.sel $0x180000  }
0x2ca: {  	[bflag:$0x0] =	sbarrier.arrive $0xFFFF  }
0x2cb: {  	_ =	strace $0x90000047  }
0x2cc: {  	s0 =	stileid.u32;
	[bflag:$0x2] =	sbarrier.arrive $0xFFFF  }
0x2cd: {  	p0 =	sne.s32 s0, $0x0;
	s0 =	rddreg [dreg:$0x3]  }
0x2ce: {  	s0 =	sadd.s32 @!p0 $0x100000, s0  }
0x2cf: {  	[sflag:s0] =	ssyncadd.tile.s32 @!p0 $0x1;
	_ =	shalt  }
.Lfunc_end2:
_tile_overlayer_lowered:
.L_overlay_start_2:
0x2d0: {  	(tag) =	ssettag $0x2  }
0x2d1: {  	s0 =	rddreg [dreg:$0x0];
	s2 =	stileid.u32  }
0x2d2: {  	s1 =	rddreg [dreg:$0x1];
	p0 =	sne.s32 s2, $0x0  }
0x2d3: {  	s3 =	rddreg [dreg:$0x2];
	[bflag:$0x3] =	sbarrier.arrive $0xFFFF;
	s2 =	simm.s32 @!p0 $0x1C05  }
0x2d4: {  	[timem:s3], [sflag:s2] =	dma.local @!p0 [hbm:s0], s1  }
0x2d5: {  	s0 =	simm.s32 @!p0 $0x5  }
0x2d6: {  	_ =	swait.ge @!p0 [sflag:s0], s1  }
0x2d7: {  	s1 =	ssub.s32 @!p0 $0x0, s1;
	[sflag:s0] =	ssyncset.done @!p0 $0x0  }
0x2d8: {  	[sflag:s0] =	ssyncadd.s32 @!p0 s1  }
0x2d9: {  	[bflag:$0x3] =	sbarrier.arrive $0xFFFF  }
0x2da: {  	_ =	shalt  }

</sc_bundles>
